<compile_context>
chip_gen: v7x
topology: tpu7x:2x2x1
jax: 0.10.2.dev20260603
libtpu: 0.0.44.dev20260713+nightly
codegen_flags: <defaults>
</compile_context>

<pallas_src>
import functools

import jax
import jax.numpy as jnp
from jax import lax
from jax.experimental import pallas as pl
from jax.experimental.pallas import tpu as pltpu
from jax.experimental.pallas import tpu_sc as plsc

N_NODES = 10000
N_EDGES = 320000
D = 128
EPS = 1e-5

NC = 2
NS = 16
CHUNK = 128
CHUNKS_PER_TILE = 80
IDX_BLK = 16
N_BLK = CHUNKS_PER_TILE // IDX_BLK
E_PAD = NC * NS * CHUNKS_PER_TILE * CHUNK
ROWS_PAD = 10112
R_PER_TILE = ROWS_PAD // NS


def _sc_aggregate(x, src2, dst2, zfeat, zcnt):
    mesh = plsc.VectorSubcoreMesh(core_axis_name="c", subcore_axis_name="s")

    @functools.partial(
        pl.kernel,
        mesh=mesh,
        compiler_params=pltpu.CompilerParams(needs_layout_passes=False),
        out_type=[
            jax.ShapeDtypeStruct((NC, ROWS_PAD, D), jnp.float32),
            jax.ShapeDtypeStruct((NC, NS, ROWS_PAD), jnp.float32),
        ],
        scratch_types=[
            pltpu.VMEM_SHARED((ROWS_PAD, D), jnp.float32),
            pltpu.VMEM((IDX_BLK, CHUNK), jnp.int32),
            pltpu.VMEM((IDX_BLK, 1, CHUNK), jnp.int32),
            pltpu.VMEM((CHUNK, D), jnp.float32),
            pltpu.VMEM((CHUNK, D), jnp.float32),
            pltpu.VMEM((ROWS_PAD,), jnp.float32),
            pltpu.SemaphoreType.DMA,
            pltpu.SemaphoreType.DMA,
        ],
    )
    def k(x_hbm, src_hbm, dst_hbm, zf_hbm, zc_hbm, agg_out, cnt_out,
          agg_sh, src_v, dst_v, rows_a, rows_b, cnt_v, sem_a, sem_b):
        cid = lax.axis_index("c")
        sid = lax.axis_index("s")
        wid = cid * NS + sid

        r0 = sid * R_PER_TILE
        pltpu.sync_copy(zf_hbm, agg_sh.at[pl.ds(r0, R_PER_TILE)])
        pltpu.sync_copy(zc_hbm, cnt_v)

        base_rows = wid * CHUNKS_PER_TILE

        plsc.subcore_barrier()

        def _gather(j, buf, sem):
            pltpu.async_copy(x_hbm.at[src_v.at[j]], buf, sem)

        def _drain(buf, sem):
            pltpu.make_async_copy(x_hbm.at[pl.ds(0, CHUNK)], buf, sem).wait()

        def _hist(j):
            ones16 = jnp.full((16,), 1.0, jnp.float32)
            for kk in range(CHUNK // 16):
                idx16 = dst_v[j, 0, pl.ds(kk * 16, 16)]
                plsc.addupdate_scatter(cnt_v, [idx16], ones16)

        def _scatter(j, buf):
            pltpu.sync_copy(buf, agg_sh.at[dst_v.at[j, 0]], add=True)

        def _idx_block(b, _):
            pltpu.sync_copy(src_hbm.at[pl.ds(base_rows + b * IDX_BLK, IDX_BLK)],
                            src_v)
            pltpu.sync_copy(dst_hbm.at[pl.ds(base_rows + b * IDX_BLK, IDX_BLK)],
                            dst_v)
            _gather(0, rows_a, sem_a)

            def _pair(k2, _):
                _gather(2 * k2 + 1, rows_b, sem_b)
                _hist(2 * k2)
                _drain(rows_a, sem_a)
                _scatter(2 * k2, rows_a)

                @pl.when(k2 < IDX_BLK // 2 - 1)
                def _next():
                    _gather(2 * k2 + 2, rows_a, sem_a)
                _hist(2 * k2 + 1)
                _drain(rows_b, sem_b)
                _scatter(2 * k2 + 1, rows_b)
                return 0
            return lax.fori_loop(0, IDX_BLK // 2, _pair, 0)
        lax.fori_loop(0, N_BLK, _idx_block, 0)

        plsc.subcore_barrier()

        pltpu.sync_copy(agg_sh.at[pl.ds(r0, R_PER_TILE)],
                        agg_out.at[cid, pl.ds(r0, R_PER_TILE)])
        pltpu.sync_copy(cnt_v, cnt_out.at[cid, sid])

    return k(x, src2, dst2, zfeat, zcnt)


RB = 1000
GRID = N_NODES // RB


def _tc_h_body(x_ref, agg_ref, cnt_ref, wl_ref, bl_ref, wr_ref, h_ref, s_ref):
    i = pl.program_id(0)
    agg = agg_ref[0] + agg_ref[1]
    cnt = jnp.sum(cnt_ref[...], axis=1, keepdims=True)
    mean = agg / jnp.maximum(cnt, 1.0)
    dn = (((1,), (1,)), ((), ()))
    h = (lax.dot_general(mean, wl_ref[...], dn,
                         preferred_element_type=jnp.float32,
                         precision=lax.Precision.HIGHEST)
         + bl_ref[...][None, :]
         + lax.dot_general(x_ref[...], wr_ref[...], dn,
                           preferred_element_type=jnp.float32,
                           precision=lax.Precision.HIGHEST))
    h_ref[...] = h
    part = jnp.concatenate(
        [jnp.sum(h, axis=0, keepdims=True),
         jnp.sum(h * h, axis=0, keepdims=True)], axis=0)

    @pl.when(i == 0)
    def _init():
        s_ref[...] = part

    @pl.when(i != 0)
    def _acc():
        s_ref[...] = s_ref[...] + part


def _tc_norm_body(h_ref, s_ref, g_ref, b_ref, o_ref):
    mu = s_ref[0:1, :] * (1.0 / N_NODES)
    var = s_ref[1:2, :] * (1.0 / N_NODES) - mu * mu
    y = (g_ref[...][None, :] * (h_ref[...] - mu) * lax.rsqrt(var + EPS)
         + b_ref[...][None, :])
    o_ref[...] = jnp.maximum(y, 0.0)


def _tc_combine(x, aggp, cntp, W_l, b_l, W_r, gamma, beta):
    h, sums = pl.pallas_call(
        _tc_h_body,
        grid=(GRID,),
        in_specs=[
            pl.BlockSpec((RB, D), lambda i: (i, 0)),
            pl.BlockSpec((NC, RB, D), lambda i: (0, i, 0)),
            pl.BlockSpec((RB, NC * NS), lambda i: (i, 0)),
            pl.BlockSpec((D, D), lambda i: (0, 0)),
            pl.BlockSpec((D,), lambda i: (0,)),
            pl.BlockSpec((D, D), lambda i: (0, 0)),
        ],
        out_specs=[
            pl.BlockSpec((RB, D), lambda i: (i, 0)),
            pl.BlockSpec((2, D), lambda i: (0, 0)),
        ],
        out_shape=[
            jax.ShapeDtypeStruct((N_NODES, D), jnp.float32),
            jax.ShapeDtypeStruct((2, D), jnp.float32),
        ],
    )(x, aggp, cntp, W_l, b_l, W_r)
    return pl.pallas_call(
        _tc_norm_body,
        grid=(GRID,),
        in_specs=[
            pl.BlockSpec((RB, D), lambda i: (i, 0)),
            pl.BlockSpec((2, D), lambda i: (0, 0)),
            pl.BlockSpec((D,), lambda i: (0,)),
            pl.BlockSpec((D,), lambda i: (0,)),
        ],
        out_specs=pl.BlockSpec((RB, D), lambda i: (i, 0)),
        out_shape=jax.ShapeDtypeStruct((N_NODES, D), jnp.float32),
    )(h, sums, gamma, beta)


def kernel(x, edge_index, W_l, b_l, W_r, gamma, beta):
    src = edge_index[0].astype(jnp.int32)
    dst = edge_index[1].astype(jnp.int32)
    pad = E_PAD - N_EDGES
    src2 = jnp.concatenate([src, jnp.zeros((pad,), jnp.int32)])
    src2 = src2.reshape(E_PAD // CHUNK, CHUNK)
    dst2 = jnp.concatenate([dst, jnp.full((pad,), N_NODES, jnp.int32)])
    dst2 = dst2.reshape(E_PAD // CHUNK, 1, CHUNK)
    zfeat = jnp.zeros((R_PER_TILE, D), jnp.float32)
    zcnt = jnp.zeros((ROWS_PAD,), jnp.float32)
    aggp, cntp = _sc_aggregate(x, src2, dst2, zfeat, zcnt)
    cnt_t = jnp.transpose(cntp.reshape(NC * NS, ROWS_PAD))
    return _tc_combine(x, aggp, cnt_t, W_l, b_l, W_r, gamma, beta)

# --- scband reference (transcript-rebuilt; emitter-appended) ---
"""Pipeline reference for scband-sageblock-11948599018079 (READ-ONLY COPY).

The authoritative reference and input builder live on the scoring server;
editing this copy changes nothing except your own understanding.
"""

import jax, jax.numpy as jnp
import numpy as np

N_NODES = 10000
N_EDGES = 320000
D = 128
EPS = 1e-5

def setup_inputs(seed: int = 0) -> dict:
    key = jax.random.key(seed)
    k1, k2, k3, k4 = jax.random.split(key, 4)
    x = jax.random.normal(k1, (N_NODES, D), dtype=jnp.float32)
    edge_index = jax.random.randint(k2, (2, N_EDGES), 0, N_NODES, dtype=jnp.int64)
    # SAGEConv params: lin_l (applied to aggregated neighbors, with bias), lin_r (applied to root, no bias)
    W_l = jax.random.normal(k3, (D, D), dtype=jnp.float32) * (1.0 / np.sqrt(D))
    b_l = jnp.zeros((D,), dtype=jnp.float32)
    W_r = jax.random.normal(k4, (D, D), dtype=jnp.float32) * (1.0 / np.sqrt(D))
    # BatchNorm1d affine params (track_running_stats=False -> always batch stats)
    gamma = jnp.ones((D,), dtype=jnp.float32)
    beta = jnp.zeros((D,), dtype=jnp.float32)
    return {"x": x, "edge_index": edge_index, "W_l": W_l, "b_l": b_l, "W_r": W_r, "gamma": gamma, "beta": beta}

def reference(x, edge_index, W_l, b_l, W_r, gamma, beta):
    src = edge_index[0]
    dst = edge_index[1]
    # SAGEConv with mean aggregation: gather source features, scatter-mean to destination
    msg = jnp.take(x, src, axis=0)
    agg = jax.ops.segment_sum(msg, dst, num_segments=N_NODES)
    cnt = jax.ops.segment_sum(jnp.ones((N_EDGES,), dtype=x.dtype), dst, num_segments=N_NODES)
    mean_agg = agg / jnp.clip(cnt, 1.0, None)[:, None]
    h = mean_agg @ W_l.T + b_l + x @ W_r.T
    # BatchNorm1d with batch statistics (biased variance), eps=1e-5
    mu = jnp.mean(h, axis=0)
    var = jnp.var(h, axis=0)
    y = gamma * (h - mu) / jnp.sqrt(var + EPS) + beta
    # ReLU
    return jnp.maximum(y, 0.0)

if __name__ == "__main__":
    import jax
    _d = setup_inputs()
    print(jax.jit(kernel)(*tuple(_d.values())))

</pallas_src>

<mosaic_0001>
#map = affine_map<(d0, d1) -> (0, 0)>
#map1 = affine_map<(d0, d1) -> (0, 0, 0)>
#map2 = affine_map<(d0, d1) -> (0)>
module attributes {stable_mosaic.version = 14 : i64} {
  func.func @k(%arg0: i32, %arg1: i32, %arg2: memref<10000x128xf32, #tpu.memory_space<hbm>>, %arg3: memref<2560x128xi32, #tpu.memory_space<hbm>>, %arg4: memref<2560x1x128xi32, #tpu.memory_space<hbm>>, %arg5: memref<632x128xf32, #tpu.memory_space<hbm>>, %arg6: memref<10112xf32, #tpu.memory_space<hbm>>, %arg7: memref<2x10112x128xf32, #tpu.memory_space<hbm>>, %arg8: memref<2x16x10112xf32, #tpu.memory_space<hbm>>, %arg9: memref<10112x128xf32, #tpu.memory_space<vmem_shared>>, %arg10: memref<16x128xi32, #tpu.memory_space<vmem>>, %arg11: memref<16x1x128xi32, #tpu.memory_space<vmem>>, %arg12: memref<128x128xf32, #tpu.memory_space<vmem>>, %arg13: memref<128x128xf32, #tpu.memory_space<vmem>>, %arg14: memref<10112xf32, #tpu.memory_space<vmem>>, %arg15: memref<!tpu.dma_semaphore, #tpu.memory_space<semaphore_mem>>, %arg16: memref<!tpu.dma_semaphore, #tpu.memory_space<semaphore_mem>>) attributes {dimension_semantics = [#tpu.dimension_semantics<core_parallel>, #tpu.dimension_semantics<subcore_parallel>], iteration_bounds = array<i64: 2, 16>, scalar_prefetch = 0 : i64, scratch_operands = 8 : i64, tpu.core_type = #tpu.core_type<sc_vector_subcore>, window_params = [{transform_indices = #map}, {transform_indices = #map}, {transform_indices = #map1}, {transform_indices = #map}, {transform_indices = #map2}, {transform_indices = #map1}, {transform_indices = #map1}]} {
    %mul3A = arith.constant 16 : i32
    %mul3A_0 = arith.muli %arg0, %mul3A : i32
    %add3A = arith.addi %mul3A_0, %arg1 : i32
    %mul3A_1 = arith.constant 632 : i32
    %mul3A_2 = arith.muli %arg1, %mul3A_1 : i32
    "tpu.region"() ({
      %run_scoped3A = tpu.sem_alloc : memref<!tpu.dma_semaphore, #tpu.memory_space<semaphore_mem>>
      %dma_start3A = arith.constant 0 : i32
      %dma_start3A_12 = tpu.memref_slice %arg9[%mul3A_2, %dma_start3A] : memref<10112x128xf32, #tpu.memory_space<vmem_shared>> -> memref<632x128xf32, #tpu.memory_space<vmem_shared>>
      tpu.enqueue_dma source(%arg5 : memref<632x128xf32, #tpu.memory_space<hbm>>) target(%dma_start3A_12 : memref<632x128xf32, #tpu.memory_space<vmem_shared>>) target_semaphore(%run_scoped3A : memref<!tpu.dma_semaphore, #tpu.memory_space<semaphore_mem>>)
      %dma_wait3A = arith.constant 0 : i32
      %dma_wait3A_13 = tpu.memref_slice %arg9[%mul3A_2, %dma_wait3A] : memref<10112x128xf32, #tpu.memory_space<vmem_shared>> -> memref<632x128xf32, #tpu.memory_space<vmem_shared>>
      tpu.wait_dma2 semaphore(%run_scoped3A : memref<!tpu.dma_semaphore, #tpu.memory_space<semaphore_mem>>) src(%arg5 : memref<632x128xf32, #tpu.memory_space<hbm>>) dst(%dma_wait3A_13 : memref<632x128xf32, #tpu.memory_space<vmem_shared>>)
      tpu.yield
    }) : () -> ()
    "tpu.region"() ({
      %run_scoped3A = tpu.sem_alloc : memref<!tpu.dma_semaphore, #tpu.memory_space<semaphore_mem>>
      tpu.enqueue_dma source(%arg6 : memref<10112xf32, #tpu.memory_space<hbm>>) target(%arg14 : memref<10112xf32, #tpu.memory_space<vmem>>) target_semaphore(%run_scoped3A : memref<!tpu.dma_semaphore, #tpu.memory_space<semaphore_mem>>)
      tpu.wait_dma2 semaphore(%run_scoped3A : memref<!tpu.dma_semaphore, #tpu.memory_space<semaphore_mem>>) src(%arg6 : memref<10112xf32, #tpu.memory_space<hbm>>) dst(%arg14 : memref<10112xf32, #tpu.memory_space<vmem>>)
      tpu.yield
    }) : () -> ()
    %mul3A_3 = arith.constant 80 : i32
    %mul3A_4 = arith.muli %add3A, %mul3A_3 : i32
    %barrier3A = arith.constant 0 : index
    tpu.barrier barrier_id(%barrier3A)
    %scan3A = arith.constant 0 : i32
    %scan3A_5 = arith.constant 0 : i32
    %scan3A_6 = arith.constant 5 : i32
    %scan3A_7 = arith.addi %scan3A_5, %scan3A_6 : i32
    %scan3A_8 = arith.constant 1 : i32
    %scan3A_9 = scf.for %scan3A_12 = %scan3A_5 to %scan3A_7 step %scan3A_8 iter_args(%scan3A_13 = %scan3A) -> (i32)  : i32 {
      %mul3A_14 = arith.constant 16 : i32
      %mul3A_15 = arith.muli %scan3A_12, %mul3A_14 : i32
      %add3A_16 = arith.addi %mul3A_4, %mul3A_15 : i32
      "tpu.region"() ({
        %run_scoped3A = tpu.sem_alloc : memref<!tpu.dma_semaphore, #tpu.memory_space<semaphore_mem>>
        %dma_start3A_33 = arith.constant 0 : i32
        %dma_start3A_34 = tpu.memref_slice %arg3[%add3A_16, %dma_start3A_33] : memref<2560x128xi32, #tpu.memory_space<hbm>> -> memref<16x128xi32, #tpu.memory_space<hbm>>
        %dma_start3A_35 = arith.constant 0 : i32
        %dma_start3A_36 = tpu.memref_slice %arg3[%add3A_16, %dma_start3A_35] : memref<2560x128xi32, #tpu.memory_space<hbm>> -> memref<16x128xi32, #tpu.memory_space<hbm>>
        tpu.enqueue_dma source(%dma_start3A_36 : memref<16x128xi32, #tpu.memory_space<hbm>>) target(%arg10 : memref<16x128xi32, #tpu.memory_space<vmem>>) target_semaphore(%run_scoped3A : memref<!tpu.dma_semaphore, #tpu.memory_space<semaphore_mem>>)
        %dma_wait3A = arith.constant 0 : i32
        %dma_wait3A_37 = tpu.memref_slice %arg3[%add3A_16, %dma_wait3A] : memref<2560x128xi32, #tpu.memory_space<hbm>> -> memref<16x128xi32, #tpu.memory_space<hbm>>
        %dma_wait3A_38 = arith.constant 0 : i32
        %dma_wait3A_39 = tpu.memref_slice %arg3[%add3A_16, %dma_wait3A_38] : memref<2560x128xi32, #tpu.memory_space<hbm>> -> memref<16x128xi32, #tpu.memory_space<hbm>>
        tpu.wait_dma2 semaphore(%run_scoped3A : memref<!tpu.dma_semaphore, #tpu.memory_space<semaphore_mem>>) src(%dma_wait3A_39 : memref<16x128xi32, #tpu.memory_space<hbm>>) dst(%arg10 : memref<16x128xi32, #tpu.memory_space<vmem>>)
        tpu.yield
      }) : () -> ()
      %mul3A_17 = arith.constant 16 : i32
      %mul3A_18 = arith.muli %scan3A_12, %mul3A_17 : i32
      %add3A_19 = arith.addi %mul3A_4, %mul3A_18 : i32
      "tpu.region"() ({
        %run_scoped3A = tpu.sem_alloc : memref<!tpu.dma_semaphore, #tpu.memory_space<semaphore_mem>>
        %dma_start3A_33 = arith.constant 0 : i32
        %dma_start3A_34 = arith.constant 0 : i32
        %dma_start3A_35 = tpu.memref_slice %arg4[%add3A_19, %dma_start3A_33, %dma_start3A_34] : memref<2560x1x128xi32, #tpu.memory_space<hbm>> -> memref<16x1x128xi32, #tpu.memory_space<hbm>>
        %dma_start3A_36 = arith.constant 0 : i32
        %dma_start3A_37 = arith.constant 0 : i32
        %dma_start3A_38 = tpu.memref_slice %arg4[%add3A_19, %dma_start3A_36, %dma_start3A_37] : memref<2560x1x128xi32, #tpu.memory_space<hbm>> -> memref<16x1x128xi32, #tpu.memory_space<hbm>>
        tpu.enqueue_dma source(%dma_start3A_38 : memref<16x1x128xi32, #tpu.memory_space<hbm>>) target(%arg11 : memref<16x1x128xi32, #tpu.memory_space<vmem>>) target_semaphore(%run_scoped3A : memref<!tpu.dma_semaphore, #tpu.memory_space<semaphore_mem>>)
        %dma_wait3A = arith.constant 0 : i32
        %dma_wait3A_39 = arith.constant 0 : i32
        %dma_wait3A_40 = tpu.memref_slice %arg4[%add3A_19, %dma_wait3A, %dma_wait3A_39] : memref<2560x1x128xi32, #tpu.memory_space<hbm>> -> memref<16x1x128xi32, #tpu.memory_space<hbm>>
        %dma_wait3A_41 = arith.constant 0 : i32
        %dma_wait3A_42 = arith.constant 0 : i32
        %dma_wait3A_43 = tpu.memref_slice %arg4[%add3A_19, %dma_wait3A_41, %dma_wait3A_42] : memref<2560x1x128xi32, #tpu.memory_space<hbm>> -> memref<16x1x128xi32, #tpu.memory_space<hbm>>
        tpu.wait_dma2 semaphore(%run_scoped3A : memref<!tpu.dma_semaphore, #tpu.memory_space<semaphore_mem>>) src(%dma_wait3A_43 : memref<16x1x128xi32, #tpu.memory_space<hbm>>) dst(%arg11 : memref<16x1x128xi32, #tpu.memory_space<vmem>>)
        tpu.yield
      }) : () -> ()
      %dma_start3A = arith.constant 0 : i32
      %dma_start3A_20 = arith.constant 0 : i32
      %dma_start3A_21 = tpu.memref_slice %arg10[%dma_start3A, %dma_start3A_20] : memref<16x128xi32, #tpu.memory_space<vmem>> -> memref<1x128xi32, #tpu.memory_space<vmem>>
      %dma_start3A_22 = tpu.memref_squeeze %dma_start3A_21 : memref<1x128xi32, #tpu.memory_space<vmem>> -> memref<128xi32, #tpu.memory_space<vmem>>
      %dma_start3A_23 = arith.constant 0 : i32
      %dma_start3A_24 = arith.constant 0 : i32
      %dma_start3A_25 = tpu.memref_slice %arg2[%dma_start3A_23, %dma_start3A_24] : memref<10000x128xf32, #tpu.memory_space<hbm>> -> memref<10000x128xf32, #tpu.memory_space<hbm>>
      tpu.enqueue_indirect_dma source(%dma_start3A_25 : memref<10000x128xf32, #tpu.memory_space<hbm>>) target(%arg12 : memref<128x128xf32, #tpu.memory_space<vmem>>) offsets(%dma_start3A_22 : memref<128xi32, #tpu.memory_space<vmem>>) semaphore(%arg15 : memref<!tpu.dma_semaphore, #tpu.memory_space<semaphore_mem>>)
      %scan3A_26 = arith.constant 0 : i32
      %scan3A_27 = arith.constant 0 : i32
      %scan3A_28 = arith.constant 8 : i32
      %scan3A_29 = arith.addi %scan3A_27, %scan3A_28 : i32
      %scan3A_30 = arith.constant 1 : i32
      %scan3A_31 = scf.for %scan3A_33 = %scan3A_27 to %scan3A_29 step %scan3A_30 iter_args(%scan3A_34 = %scan3A_26) -> (i32)  : i32 {
        %mul3A_35 = arith.constant 2 : i32
        %mul3A_36 = arith.muli %mul3A_35, %scan3A_33 : i32
        %add3A_37 = arith.constant 1 : i32
        %add3A_38 = arith.addi %mul3A_36, %add3A_37 : i32
        %dma_start3A_39 = arith.constant 0 : i32
        %dma_start3A_40 = tpu.memref_slice %arg10[%add3A_38, %dma_start3A_39] : memref<16x128xi32, #tpu.memory_space<vmem>> -> memref<1x128xi32, #tpu.memory_space<vmem>>
        %dma_start3A_41 = tpu.memref_squeeze %dma_start3A_40 : memref<1x128xi32, #tpu.memory_space<vmem>> -> memref<128xi32, #tpu.memory_space<vmem>>
        %dma_start3A_42 = arith.constant 0 : i32
        %dma_start3A_43 = arith.constant 0 : i32
        %dma_start3A_44 = tpu.memref_slice %arg2[%dma_start3A_42, %dma_start3A_43] : memref<10000x128xf32, #tpu.memory_space<hbm>> -> memref<10000x128xf32, #tpu.memory_space<hbm>>
        tpu.enqueue_indirect_dma source(%dma_start3A_44 : memref<10000x128xf32, #tpu.memory_space<hbm>>) target(%arg13 : memref<128x128xf32, #tpu.memory_space<vmem>>) offsets(%dma_start3A_41 : memref<128xi32, #tpu.memory_space<vmem>>) semaphore(%arg16 : memref<!tpu.dma_semaphore, #tpu.memory_space<semaphore_mem>>)
        %mul3A_45 = arith.constant 2 : i32
        %mul3A_46 = arith.muli %mul3A_45, %scan3A_33 : i32
        %broadcast_in_dim3A = arith.constant 1.000000e+00 : f32
        %broadcast_in_dim3A_47 = vector.broadcast %broadcast_in_dim3A : f32 to vector<16xf32>
        %get3A = arith.constant 0 : i32
        %get3A_48 = arith.index_cast %mul3A_46 : i32 to index
        %get3A_49 = arith.index_cast %get3A : i32 to index
        %get3A_50 = arith.constant 0 : index
        %get3A_51 = tpu.vector_load %arg11[%get3A_48, %get3A_49, %get3A_50] {strides = array<i32>} : memref<16x1x128xi32, #tpu.memory_space<vmem>>, vector<16xi32>,
        tpu.vector_store_idx %arg14[%get3A_51], %broadcast_in_dim3A_47 {add = true} : memref<10112xf32, #tpu.memory_space<vmem>>[vector<16xi32>], vector<16xf32>,
        %get3A_52 = arith.constant 0 : i32
        %get3A_53 = arith.index_cast %mul3A_46 : i32 to index
        %get3A_54 = arith.index_cast %get3A_52 : i32 to index
        %get3A_55 = arith.constant 16 : index
        %get3A_56 = tpu.vector_load %arg11[%get3A_53, %get3A_54, %get3A_55] {strides = array<i32>} : memref<16x1x128xi32, #tpu.memory_space<vmem>>, vector<16xi32>,
        tpu.vector_store_idx %arg14[%get3A_56], %broadcast_in_dim3A_47 {add = true} : memref<10112xf32, #tpu.memory_space<vmem>>[vector<16xi32>], vector<16xf32>,
        %get3A_57 = arith.constant 0 : i32
        %get3A_58 = arith.index_cast %mul3A_46 : i32 to index
        %get3A_59 = arith.index_cast %get3A_57 : i32 to index
        %get3A_60 = arith.constant 32 : index
        %get3A_61 = tpu.vector_load %arg11[%get3A_58, %get3A_59, %get3A_60] {strides = array<i32>} : memref<16x1x128xi32, #tpu.memory_space<vmem>>, vector<16xi32>,
        tpu.vector_store_idx %arg14[%get3A_61], %broadcast_in_dim3A_47 {add = true} : memref<10112xf32, #tpu.memory_space<vmem>>[vector<16xi32>], vector<16xf32>,
        %get3A_62 = arith.constant 0 : i32
        %get3A_63 = arith.index_cast %mul3A_46 : i32 to index
        %get3A_64 = arith.index_cast %get3A_62 : i32 to index
        %get3A_65 = arith.constant 48 : index
        %get3A_66 = tpu.vector_load %arg11[%get3A_63, %get3A_64, %get3A_65] {strides = array<i32>} : memref<16x1x128xi32, #tpu.memory_space<vmem>>, vector<16xi32>,
        tpu.vector_store_idx %arg14[%get3A_66], %broadcast_in_dim3A_47 {add = true} : memref<10112xf32, #tpu.memory_space<vmem>>[vector<16xi32>], vector<16xf32>,
        %get3A_67 = arith.constant 0 : i32
        %get3A_68 = arith.index_cast %mul3A_46 : i32 to index
        %get3A_69 = arith.index_cast %get3A_67 : i32 to index
        %get3A_70 = arith.constant 64 : index
        %get3A_71 = tpu.vector_load %arg11[%get3A_68, %get3A_69, %get3A_70] {strides = array<i32>} : memref<16x1x128xi32, #tpu.memory_space<vmem>>, vector<16xi32>,
        tpu.vector_store_idx %arg14[%get3A_71], %broadcast_in_dim3A_47 {add = true} : memref<10112xf32, #tpu.memory_space<vmem>>[vector<16xi32>], vector<16xf32>,
        %get3A_72 = arith.constant 0 : i32
        %get3A_73 = arith.index_cast %mul3A_46 : i32 to index
        %get3A_74 = arith.index_cast %get3A_72 : i32 to index
        %get3A_75 = arith.constant 80 : index
        %get3A_76 = tpu.vector_load %arg11[%get3A_73, %get3A_74, %get3A_75] {strides = array<i32>} : memref<16x1x128xi32, #tpu.memory_space<vmem>>, vector<16xi32>,
        tpu.vector_store_idx %arg14[%get3A_76], %broadcast_in_dim3A_47 {add = true} : memref<10112xf32, #tpu.memory_space<vmem>>[vector<16xi32>], vector<16xf32>,
        %get3A_77 = arith.constant 0 : i32
        %get3A_78 = arith.index_cast %mul3A_46 : i32 to index
        %get3A_79 = arith.index_cast %get3A_77 : i32 to index
        %get3A_80 = arith.constant 96 : index
        %get3A_81 = tpu.vector_load %arg11[%get3A_78, %get3A_79, %get3A_80] {strides = array<i32>} : memref<16x1x128xi32, #tpu.memory_space<vmem>>, vector<16xi32>,
        tpu.vector_store_idx %arg14[%get3A_81], %broadcast_in_dim3A_47 {add = true} : memref<10112xf32, #tpu.memory_space<vmem>>[vector<16xi32>], vector<16xf32>,
        %get3A_82 = arith.constant 0 : i32
        %get3A_83 = arith.index_cast %mul3A_46 : i32 to index
        %get3A_84 = arith.index_cast %get3A_82 : i32 to index
        %get3A_85 = arith.constant 112 : index
        %get3A_86 = tpu.vector_load %arg11[%get3A_83, %get3A_84, %get3A_85] {strides = array<i32>} : memref<16x1x128xi32, #tpu.memory_space<vmem>>, vector<16xi32>,
        tpu.vector_store_idx %arg14[%get3A_86], %broadcast_in_dim3A_47 {add = true} : memref<10112xf32, #tpu.memory_space<vmem>>[vector<16xi32>], vector<16xf32>,
        %dma_wait3A = arith.constant 0 : i32
        %dma_wait3A_87 = arith.constant 0 : i32
        %dma_wait3A_88 = tpu.memref_slice %arg2[%dma_wait3A, %dma_wait3A_87] : memref<10000x128xf32, #tpu.memory_space<hbm>> -> memref<128x128xf32, #tpu.memory_space<hbm>>
        %dma_wait3A_89 = arith.constant 0 : i32
        %dma_wait3A_90 = arith.constant 0 : i32
        %dma_wait3A_91 = tpu.memref_slice %arg2[%dma_wait3A_89, %dma_wait3A_90] : memref<10000x128xf32, #tpu.memory_space<hbm>> -> memref<128x128xf32, #tpu.memory_space<hbm>>
        tpu.wait_dma2 semaphore(%arg15 : memref<!tpu.dma_semaphore, #tpu.memory_space<semaphore_mem>>) src(%dma_wait3A_91 : memref<128x128xf32, #tpu.memory_space<hbm>>) dst(%arg12 : memref<128x128xf32, #tpu.memory_space<vmem>>)
        %mul3A_92 = arith.constant 2 : i32
        %mul3A_93 = arith.muli %mul3A_92, %scan3A_33 : i32
        %run_scoped3A = arith.constant 0 : i32
        "tpu.region"() ({
          %run_scoped3A_154 = tpu.sem_alloc : memref<!tpu.dma_semaphore, #tpu.memory_space<semaphore_mem>>
          %dma_start3A_155 = arith.constant 0 : i32
          %dma_start3A_156 = tpu.memref_slice %arg11[%mul3A_93, %run_scoped3A, %dma_start3A_155] : memref<16x1x128xi32, #tpu.memory_space<vmem>> -> memref<1x1x128xi32, #tpu.memory_space<vmem>>
          %dma_start3A_157 = tpu.memref_squeeze %dma_start3A_156 : memref<1x1x128xi32, #tpu.memory_space<vmem>> -> memref<128xi32, #tpu.memory_space<vmem>>
          %dma_start3A_158 = arith.constant 0 : i32
          %dma_start3A_159 = arith.constant 0 : i32
          %dma_start3A_160 = tpu.memref_slice %arg9[%dma_start3A_158, %dma_start3A_159] : memref<10112x128xf32, #tpu.memory_space<vmem_shared>> -> memref<10112x128xf32, #tpu.memory_space<vmem_shared>>
          tpu.enqueue_indirect_dma source(%arg12 : memref<128x128xf32, #tpu.memory_space<vmem>>) target(%dma_start3A_160 : memref<10112x128xf32, #tpu.memory_space<vmem_shared>>) offsets(%dma_start3A_157 : memref<128xi32, #tpu.memory_space<vmem>>) semaphore(%run_scoped3A_154 : memref<!tpu.dma_semaphore, #tpu.memory_space<semaphore_mem>>) {add = true}
          %dma_wait3A_161 = arith.constant 0 : i32
          %dma_wait3A_162 = tpu.memref_slice %arg11[%mul3A_93, %run_scoped3A, %dma_wait3A_161] : memref<16x1x128xi32, #tpu.memory_space<vmem>> -> memref<1x1x128xi32, #tpu.memory_space<vmem>>
          %dma_wait3A_163 = tpu.memref_squeeze %dma_wait3A_162 : memref<1x1x128xi32, #tpu.memory_space<vmem>> -> memref<128xi32, #tpu.memory_space<vmem>>
          %dma_wait3A_164 = arith.constant 0 : i32
          %dma_wait3A_165 = arith.constant 0 : i32
          %dma_wait3A_166 = tpu.memref_slice %arg9[%dma_wait3A_164, %dma_wait3A_165] : memref<10112x128xf32, #tpu.memory_space<vmem_shared>> -> memref<10112x128xf32, #tpu.memory_space<vmem_shared>>
          tpu.wait_indirect_dma semaphore(%run_scoped3A_154 : memref<!tpu.dma_semaphore, #tpu.memory_space<semaphore_mem>>) src(%arg12 : memref<128x128xf32, #tpu.memory_space<vmem>>) dst(%dma_wait3A_166 : memref<10112x128xf32, #tpu.memory_space<vmem_shared>>)
          tpu.yield
        }) : () -> ()
        %lt3A = arith.constant 7 : i32
        %lt3A_94 = arith.cmpi slt, %scan3A_33, %lt3A : i32
        %convert_element_type3A = arith.extui %lt3A_94 : i1 to i32
        %cond3A = arith.constant 0 : i32
        %cond3A_95 = arith.cmpi ne, %convert_element_type3A, %cond3A : i32
        scf.if %cond3A_95 {
          %mul3A_154 = arith.constant 2 : i32
          %mul3A_155 = arith.muli %mul3A_154, %scan3A_33 : i32
          %add3A_156 = arith.constant 2 : i32
          %add3A_157 = arith.addi %mul3A_155, %add3A_156 : i32
          %dma_start3A_158 = arith.constant 0 : i32
          %dma_start3A_159 = tpu.memref_slice %arg10[%add3A_157, %dma_start3A_158] : memref<16x128xi32, #tpu.memory_space<vmem>> -> memref<1x128xi32, #tpu.memory_space<vmem>>
          %dma_start3A_160 = tpu.memref_squeeze %dma_start3A_159 : memref<1x128xi32, #tpu.memory_space<vmem>> -> memref<128xi32, #tpu.memory_space<vmem>>
          %dma_start3A_161 = arith.constant 0 : i32
          %dma_start3A_162 = arith.constant 0 : i32
          %dma_start3A_163 = tpu.memref_slice %arg2[%dma_start3A_161, %dma_start3A_162] : memref<10000x128xf32, #tpu.memory_space<hbm>> -> memref<10000x128xf32, #tpu.memory_space<hbm>>
          tpu.enqueue_indirect_dma source(%dma_start3A_163 : memref<10000x128xf32, #tpu.memory_space<hbm>>) target(%arg12 : memref<128x128xf32, #tpu.memory_space<vmem>>) offsets(%dma_start3A_160 : memref<128xi32, #tpu.memory_space<vmem>>) semaphore(%arg15 : memref<!tpu.dma_semaphore, #tpu.memory_space<semaphore_mem>>)
        } else {
        }
        %mul3A_96 = arith.constant 2 : i32
        %mul3A_97 = arith.muli %mul3A_96, %scan3A_33 : i32
        %add3A_98 = arith.constant 1 : i32
        %add3A_99 = arith.addi %mul3A_97, %add3A_98 : i32
        %broadcast_in_dim3A_100 = arith.constant 1.000000e+00 : f32
        %broadcast_in_dim3A_101 = vector.broadcast %broadcast_in_dim3A_100 : f32 to vector<16xf32>
        %get3A_102 = arith.constant 0 : i32
        %get3A_103 = arith.index_cast %add3A_99 : i32 to index
        %get3A_104 = arith.index_cast %get3A_102 : i32 to index
        %get3A_105 = arith.constant 0 : index
        %get3A_106 = tpu.vector_load %arg11[%get3A_103, %get3A_104, %get3A_105] {strides = array<i32>} : memref<16x1x128xi32, #tpu.memory_space<vmem>>, vector<16xi32>,
        tpu.vector_store_idx %arg14[%get3A_106], %broadcast_in_dim3A_101 {add = true} : memref<10112xf32, #tpu.memory_space<vmem>>[vector<16xi32>], vector<16xf32>,
        %get3A_107 = arith.constant 0 : i32
        %get3A_108 = arith.index_cast %add3A_99 : i32 to index
        %get3A_109 = arith.index_cast %get3A_107 : i32 to index
        %get3A_110 = arith.constant 16 : index
        %get3A_111 = tpu.vector_load %arg11[%get3A_108, %get3A_109, %get3A_110] {strides = array<i32>} : memref<16x1x128xi32, #tpu.memory_space<vmem>>, vector<16xi32>,
        tpu.vector_store_idx %arg14[%get3A_111], %broadcast_in_dim3A_101 {add = true} : memref<10112xf32, #tpu.memory_space<vmem>>[vector<16xi32>], vector<16xf32>,
        %get3A_112 = arith.constant 0 : i32
        %get3A_113 = arith.index_cast %add3A_99 : i32 to index
        %get3A_114 = arith.index_cast %get3A_112 : i32 to index
        %get3A_115 = arith.constant 32 : index
        %get3A_116 = tpu.vector_load %arg11[%get3A_113, %get3A_114, %get3A_115] {strides = array<i32>} : memref<16x1x128xi32, #tpu.memory_space<vmem>>, vector<16xi32>,
        tpu.vector_store_idx %arg14[%get3A_116], %broadcast_in_dim3A_101 {add = true} : memref<10112xf32, #tpu.memory_space<vmem>>[vector<16xi32>], vector<16xf32>,
        %get3A_117 = arith.constant 0 : i32
        %get3A_118 = arith.index_cast %add3A_99 : i32 to index
        %get3A_119 = arith.index_cast %get3A_117 : i32 to index
        %get3A_120 = arith.constant 48 : index
        %get3A_121 = tpu.vector_load %arg11[%get3A_118, %get3A_119, %get3A_120] {strides = array<i32>} : memref<16x1x128xi32, #tpu.memory_space<vmem>>, vector<16xi32>,
        tpu.vector_store_idx %arg14[%get3A_121], %broadcast_in_dim3A_101 {add = true} : memref<10112xf32, #tpu.memory_space<vmem>>[vector<16xi32>], vector<16xf32>,
        %get3A_122 = arith.constant 0 : i32
        %get3A_123 = arith.index_cast %add3A_99 : i32 to index
        %get3A_124 = arith.index_cast %get3A_122 : i32 to index
        %get3A_125 = arith.constant 64 : index
        %get3A_126 = tpu.vector_load %arg11[%get3A_123, %get3A_124, %get3A_125] {strides = array<i32>} : memref<16x1x128xi32, #tpu.memory_space<vmem>>, vector<16xi32>,
        tpu.vector_store_idx %arg14[%get3A_126], %broadcast_in_dim3A_101 {add = true} : memref<10112xf32, #tpu.memory_space<vmem>>[vector<16xi32>], vector<16xf32>,
        %get3A_127 = arith.constant 0 : i32
        %get3A_128 = arith.index_cast %add3A_99 : i32 to index
        %get3A_129 = arith.index_cast %get3A_127 : i32 to index
        %get3A_130 = arith.constant 80 : index
        %get3A_131 = tpu.vector_load %arg11[%get3A_128, %get3A_129, %get3A_130] {strides = array<i32>} : memref<16x1x128xi32, #tpu.memory_space<vmem>>, vector<16xi32>,
        tpu.vector_store_idx %arg14[%get3A_131], %broadcast_in_dim3A_101 {add = true} : memref<10112xf32, #tpu.memory_space<vmem>>[vector<16xi32>], vector<16xf32>,
        %get3A_132 = arith.constant 0 : i32
        %get3A_133 = arith.index_cast %add3A_99 : i32 to index
        %get3A_134 = arith.index_cast %get3A_132 : i32 to index
        %get3A_135 = arith.constant 96 : index
        %get3A_136 = tpu.vector_load %arg11[%get3A_133, %get3A_134, %get3A_135] {strides = array<i32>} : memref<16x1x128xi32, #tpu.memory_space<vmem>>, vector<16xi32>,
        tpu.vector_store_idx %arg14[%get3A_136], %broadcast_in_dim3A_101 {add = true} : memref<10112xf32, #tpu.memory_space<vmem>>[vector<16xi32>], vector<16xf32>,
        %get3A_137 = arith.constant 0 : i32
        %get3A_138 = arith.index_cast %add3A_99 : i32 to index
        %get3A_139 = arith.index_cast %get3A_137 : i32 to index
        %get3A_140 = arith.constant 112 : index
        %get3A_141 = tpu.vector_load %arg11[%get3A_138, %get3A_139, %get3A_140] {strides = array<i32>} : memref<16x1x128xi32, #tpu.memory_space<vmem>>, vector<16xi32>,
        tpu.vector_store_idx %arg14[%get3A_141], %broadcast_in_dim3A_101 {add = true} : memref<10112xf32, #tpu.memory_space<vmem>>[vector<16xi32>], vector<16xf32>,
        %dma_wait3A_142 = arith.constant 0 : i32
        %dma_wait3A_143 = arith.constant 0 : i32
        %dma_wait3A_144 = tpu.memref_slice %arg2[%dma_wait3A_142, %dma_wait3A_143] : memref<10000x128xf32, #tpu.memory_space<hbm>> -> memref<128x128xf32, #tpu.memory_space<hbm>>
        %dma_wait3A_145 = arith.constant 0 : i32
        %dma_wait3A_146 = arith.constant 0 : i32
        %dma_wait3A_147 = tpu.memref_slice %arg2[%dma_wait3A_145, %dma_wait3A_146] : memref<10000x128xf32, #tpu.memory_space<hbm>> -> memref<128x128xf32, #tpu.memory_space<hbm>>
        tpu.wait_dma2 semaphore(%arg16 : memref<!tpu.dma_semaphore, #tpu.memory_space<semaphore_mem>>) src(%dma_wait3A_147 : memref<128x128xf32, #tpu.memory_space<hbm>>) dst(%arg13 : memref<128x128xf32, #tpu.memory_space<vmem>>)
        %mul3A_148 = arith.constant 2 : i32
        %mul3A_149 = arith.muli %mul3A_148, %scan3A_33 : i32
        %add3A_150 = arith.constant 1 : i32
        %add3A_151 = arith.addi %mul3A_149, %add3A_150 : i32
        %run_scoped3A_152 = arith.constant 0 : i32
        "tpu.region"() ({
          %run_scoped3A_154 = tpu.sem_alloc : memref<!tpu.dma_semaphore, #tpu.memory_space<semaphore_mem>>
          %dma_start3A_155 = arith.constant 0 : i32
          %dma_start3A_156 = tpu.memref_slice %arg11[%add3A_151, %run_scoped3A_152, %dma_start3A_155] : memref<16x1x128xi32, #tpu.memory_space<vmem>> -> memref<1x1x128xi32, #tpu.memory_space<vmem>>
          %dma_start3A_157 = tpu.memref_squeeze %dma_start3A_156 : memref<1x1x128xi32, #tpu.memory_space<vmem>> -> memref<128xi32, #tpu.memory_space<vmem>>
          %dma_start3A_158 = arith.constant 0 : i32
          %dma_start3A_159 = arith.constant 0 : i32
          %dma_start3A_160 = tpu.memref_slice %arg9[%dma_start3A_158, %dma_start3A_159] : memref<10112x128xf32, #tpu.memory_space<vmem_shared>> -> memref<10112x128xf32, #tpu.memory_space<vmem_shared>>
          tpu.enqueue_indirect_dma source(%arg13 : memref<128x128xf32, #tpu.memory_space<vmem>>) target(%dma_start3A_160 : memref<10112x128xf32, #tpu.memory_space<vmem_shared>>) offsets(%dma_start3A_157 : memref<128xi32, #tpu.memory_space<vmem>>) semaphore(%run_scoped3A_154 : memref<!tpu.dma_semaphore, #tpu.memory_space<semaphore_mem>>) {add = true}
          %dma_wait3A_161 = arith.constant 0 : i32
          %dma_wait3A_162 = tpu.memref_slice %arg11[%add3A_151, %run_scoped3A_152, %dma_wait3A_161] : memref<16x1x128xi32, #tpu.memory_space<vmem>> -> memref<1x1x128xi32, #tpu.memory_space<vmem>>
          %dma_wait3A_163 = tpu.memref_squeeze %dma_wait3A_162 : memref<1x1x128xi32, #tpu.memory_space<vmem>> -> memref<128xi32, #tpu.memory_space<vmem>>
          %dma_wait3A_164 = arith.constant 0 : i32
          %dma_wait3A_165 = arith.constant 0 : i32
          %dma_wait3A_166 = tpu.memref_slice %arg9[%dma_wait3A_164, %dma_wait3A_165] : memref<10112x128xf32, #tpu.memory_space<vmem_shared>> -> memref<10112x128xf32, #tpu.memory_space<vmem_shared>>
          tpu.wait_indirect_dma semaphore(%run_scoped3A_154 : memref<!tpu.dma_semaphore, #tpu.memory_space<semaphore_mem>>) src(%arg13 : memref<128x128xf32, #tpu.memory_space<vmem>>) dst(%dma_wait3A_166 : memref<10112x128xf32, #tpu.memory_space<vmem_shared>>)
          tpu.yield
        }) : () -> ()
        %scan3A_153 = arith.constant 0 : i32
        scf.yield %scan3A_153 : i32
      }
      %scan3A_32 = arith.constant 8 : i32
      scf.yield %scan3A_31 : i32
    }
    %scan3A_10 = arith.constant 5 : i32
    %barrier3A_11 = arith.constant 0 : index
    tpu.barrier barrier_id(%barrier3A_11)
    "tpu.region"() ({
      %run_scoped3A = tpu.sem_alloc : memref<!tpu.dma_semaphore, #tpu.memory_space<semaphore_mem>>
      %dma_start3A = arith.constant 0 : i32
      %dma_start3A_12 = tpu.memref_slice %arg7[%arg0, %mul3A_2, %dma_start3A] : memref<2x10112x128xf32, #tpu.memory_space<hbm>> -> memref<1x632x128xf32, #tpu.memory_space<hbm>>
      %dma_start3A_13 = tpu.memref_squeeze %dma_start3A_12 : memref<1x632x128xf32, #tpu.memory_space<hbm>> -> memref<632x128xf32, #tpu.memory_space<hbm>>
      %dma_start3A_14 = arith.constant 0 : i32
      %dma_start3A_15 = tpu.memref_slice %arg9[%mul3A_2, %dma_start3A_14] : memref<10112x128xf32, #tpu.memory_space<vmem_shared>> -> memref<632x128xf32, #tpu.memory_space<vmem_shared>>
      tpu.enqueue_dma source(%dma_start3A_15 : memref<632x128xf32, #tpu.memory_space<vmem_shared>>) target(%dma_start3A_13 : memref<632x128xf32, #tpu.memory_space<hbm>>) target_semaphore(%run_scoped3A : memref<!tpu.dma_semaphore, #tpu.memory_space<semaphore_mem>>)
      %dma_wait3A = arith.constant 0 : i32
      %dma_wait3A_16 = tpu.memref_slice %arg7[%arg0, %mul3A_2, %dma_wait3A] : memref<2x10112x128xf32, #tpu.memory_space<hbm>> -> memref<1x632x128xf32, #tpu.memory_space<hbm>>
      %dma_wait3A_17 = tpu.memref_squeeze %dma_wait3A_16 : memref<1x632x128xf32, #tpu.memory_space<hbm>> -> memref<632x128xf32, #tpu.memory_space<hbm>>
      %dma_wait3A_18 = arith.constant 0 : i32
      %dma_wait3A_19 = tpu.memref_slice %arg9[%mul3A_2, %dma_wait3A_18] : memref<10112x128xf32, #tpu.memory_space<vmem_shared>> -> memref<632x128xf32, #tpu.memory_space<vmem_shared>>
      tpu.wait_dma2 semaphore(%run_scoped3A : memref<!tpu.dma_semaphore, #tpu.memory_space<semaphore_mem>>) src(%dma_wait3A_19 : memref<632x128xf32, #tpu.memory_space<vmem_shared>>) dst(%dma_wait3A_17 : memref<632x128xf32, #tpu.memory_space<hbm>>)
      tpu.yield
    }) : () -> ()
    "tpu.region"() ({
      %run_scoped3A = tpu.sem_alloc : memref<!tpu.dma_semaphore, #tpu.memory_space<semaphore_mem>>
      %dma_start3A = arith.constant 0 : i32
      %dma_start3A_12 = tpu.memref_slice %arg8[%arg0, %arg1, %dma_start3A] : memref<2x16x10112xf32, #tpu.memory_space<hbm>> -> memref<1x1x10112xf32, #tpu.memory_space<hbm>>
      %dma_start3A_13 = tpu.memref_squeeze %dma_start3A_12 : memref<1x1x10112xf32, #tpu.memory_space<hbm>> -> memref<10112xf32, #tpu.memory_space<hbm>>
      %dma_start3A_14 = arith.constant 0 : i32
      %dma_start3A_15 = tpu.memref_slice %arg8[%arg0, %arg1, %dma_start3A_14] : memref<2x16x10112xf32, #tpu.memory_space<hbm>> -> memref<1x1x10112xf32, #tpu.memory_space<hbm>>
      %dma_start3A_16 = tpu.memref_squeeze %dma_start3A_15 : memref<1x1x10112xf32, #tpu.memory_space<hbm>> -> memref<10112xf32, #tpu.memory_space<hbm>>
      tpu.enqueue_dma source(%arg14 : memref<10112xf32, #tpu.memory_space<vmem>>) target(%dma_start3A_16 : memref<10112xf32, #tpu.memory_space<hbm>>) target_semaphore(%run_scoped3A : memref<!tpu.dma_semaphore, #tpu.memory_space<semaphore_mem>>)
      %dma_wait3A = arith.constant 0 : i32
      %dma_wait3A_17 = tpu.memref_slice %arg8[%arg0, %arg1, %dma_wait3A] : memref<2x16x10112xf32, #tpu.memory_space<hbm>> -> memref<1x1x10112xf32, #tpu.memory_space<hbm>>
      %dma_wait3A_18 = tpu.memref_squeeze %dma_wait3A_17 : memref<1x1x10112xf32, #tpu.memory_space<hbm>> -> memref<10112xf32, #tpu.memory_space<hbm>>
      %dma_wait3A_19 = arith.constant 0 : i32
      %dma_wait3A_20 = tpu.memref_slice %arg8[%arg0, %arg1, %dma_wait3A_19] : memref<2x16x10112xf32, #tpu.memory_space<hbm>> -> memref<1x1x10112xf32, #tpu.memory_space<hbm>>
      %dma_wait3A_21 = tpu.memref_squeeze %dma_wait3A_20 : memref<1x1x10112xf32, #tpu.memory_space<hbm>> -> memref<10112xf32, #tpu.memory_space<hbm>>
      tpu.wait_dma2 semaphore(%run_scoped3A : memref<!tpu.dma_semaphore, #tpu.memory_space<semaphore_mem>>) src(%arg14 : memref<10112xf32, #tpu.memory_space<vmem>>) dst(%dma_wait3A_21 : memref<10112xf32, #tpu.memory_space<hbm>>)
      tpu.yield
    }) : () -> ()
    return
  }
}

module attributes {stable_mosaic.version = 14 : i64} {
  func.func @_tc_h_body(%arg0: i32, %arg1: memref<1000x128xf32, #tpu.memory_space<vmem>>, %arg2: memref<2x1000x128xf32, #tpu.memory_space<vmem>>, %arg3: memref<1000x32xf32, #tpu.memory_space<vmem>>, %arg4: memref<128x128xf32, #tpu.memory_space<vmem>>, %arg5: memref<128xf32, #tpu.memory_space<vmem>>, %arg6: memref<128x128xf32, #tpu.memory_space<vmem>>, %arg7: memref<1000x128xf32, #tpu.memory_space<vmem>>, %arg8: memref<2x128xf32, #tpu.memory_space<vmem>>) attributes {dimension_semantics = [#tpu.dimension_semantics<arbitrary>], iteration_bounds = array<i64: 10>, scalar_prefetch = 0 : i64, scratch_operands = 0 : i64, tpu.core_type = #tpu.core_type<tc>, window_params = [{transform_indices = @transform_0, window_bounds = array<i64: 1000, 128>}, {transform_indices = @transform_1, window_bounds = array<i64: 2, 1000, 128>}, {transform_indices = @transform_2, window_bounds = array<i64: 1000, 32>}, {pipeline_mode = #tpu.pipeline_mode<synchronous>, transform_indices = @transform_3, window_bounds = array<i64: 128, 128>}, {pipeline_mode = #tpu.pipeline_mode<synchronous>, transform_indices = @transform_4, window_bounds = array<i64: 128>}, {pipeline_mode = #tpu.pipeline_mode<synchronous>, transform_indices = @transform_5, window_bounds = array<i64: 128, 128>}, {transform_indices = @transform_6, window_bounds = array<i64: 1000, 128>}, {pipeline_mode = #tpu.pipeline_mode<synchronous>, transform_indices = @transform_7, window_bounds = array<i64: 2, 128>}]} {
    %get3A = arith.constant 0 : index
    %get3A_0 = arith.constant 0 : index
    %get3A_1 = arith.constant 0 : index
    %get3A_2 = vector.load %arg2[%get3A, %get3A_0, %get3A_1] : memref<2x1000x128xf32, #tpu.memory_space<vmem>>, vector<1x1000x128xf32>
    %get3A_3 = vector.shape_cast %get3A_2 : vector<1x1000x128xf32> to vector<1000x128xf32>
    %get3A_4 = arith.constant 1 : index
    %get3A_5 = arith.constant 0 : index
    %get3A_6 = arith.constant 0 : index
    %get3A_7 = vector.load %arg2[%get3A_4, %get3A_5, %get3A_6] : memref<2x1000x128xf32, #tpu.memory_space<vmem>>, vector<1x1000x128xf32>
    %get3A_8 = vector.shape_cast %get3A_7 : vector<1x1000x128xf32> to vector<1000x128xf32>
    %add3A = arith.addf %get3A_3, %get3A_8 : vector<1000x128xf32>
    %get3A_9 = arith.constant 0 : index
    %get3A_10 = arith.constant 0 : index
    %get3A_11 = vector.load %arg3[%get3A_9, %get3A_10] : memref<1000x32xf32, #tpu.memory_space<vmem>>, vector<1000x32xf32>
    %reduce_sum3A = arith.constant dense<0.000000e+00> : vector<1000xf32>
    %reduce_sum3A_12 = vector.multi_reduction <add>, %get3A_11, %reduce_sum3A [1] : vector<1000x32xf32> to vector<1000xf32>
    %broadcast_in_dim3A = vector.shape_cast %reduce_sum3A_12 : vector<1000xf32> to vector<1000x1xf32>
    %max3A = arith.constant 1.000000e+00 : f32
    %max3A_13 = vector.broadcast %max3A : f32 to vector<1000x1xf32>
    %max3A_14 = arith.maximumf %broadcast_in_dim3A, %max3A_13 : vector<1000x1xf32>
    %div3A = vector.broadcast %max3A_14 : vector<1000x1xf32> to vector<1000x128xf32>
    %div3A_15 = arith.divf %add3A, %div3A : vector<1000x128xf32>
    %get3A_16 = arith.constant 0 : index
    %get3A_17 = arith.constant 0 : index
    %get3A_18 = vector.load %arg4[%get3A_16, %get3A_17] : memref<128x128xf32, #tpu.memory_space<vmem>>, vector<128x128xf32>
    %dot_general3A = arith.constant dense<0.000000e+00> : vector<1000x128xf32>
    %dot_general3A_19 = tpu.matmul %div3A_15, %get3A_18, %dot_general3A {dimension_numbers = #tpu.dot_dimension_numbers<[1], [1], [0], [0], [0, 0, 1, 0], [], []>, precision = #tpu.contract_precision<fp32>, transpose_lhs_hint = false} : vector<1000x128xf32>, vector<128x128xf32>, vector<1000x128xf32> -> vector<1000x128xf32>
    %get3A_20 = arith.constant 0 : index
    %get3A_21 = vector.load %arg5[%get3A_20] : memref<128xf32, #tpu.memory_space<vmem>>, vector<128xf32>
    %broadcast_in_dim3A_22 = vector.shape_cast %get3A_21 : vector<128xf32> to vector<1x128xf32>
    %add3A_23 = vector.broadcast %broadcast_in_dim3A_22 : vector<1x128xf32> to vector<1000x128xf32>
    %add3A_24 = arith.addf %dot_general3A_19, %add3A_23 : vector<1000x128xf32>
    %get3A_25 = arith.constant 0 : index
    %get3A_26 = arith.constant 0 : index
    %get3A_27 = vector.load %arg1[%get3A_25, %get3A_26] : memref<1000x128xf32, #tpu.memory_space<vmem>>, vector<1000x128xf32>
    %get3A_28 = arith.constant 0 : index
    %get3A_29 = arith.constant 0 : index
    %get3A_30 = vector.load %arg6[%get3A_28, %get3A_29] : memref<128x128xf32, #tpu.memory_space<vmem>>, vector<128x128xf32>
    %dot_general3A_31 = arith.constant dense<0.000000e+00> : vector<1000x128xf32>
    %dot_general3A_32 = tpu.matmul %get3A_27, %get3A_30, %dot_general3A_31 {dimension_numbers = #tpu.dot_dimension_numbers<[1], [1], [0], [0], [0, 0, 1, 0], [], []>, precision = #tpu.contract_precision<fp32>, transpose_lhs_hint = false} : vector<1000x128xf32>, vector<128x128xf32>, vector<1000x128xf32> -> vector<1000x128xf32>
    %add3A_33 = arith.addf %add3A_24, %dot_general3A_32 : vector<1000x128xf32>
    %swap3A = arith.constant 0 : index
    %swap3A_34 = arith.constant 0 : index
    %swap3A_35 = vector.load %arg7[%swap3A, %swap3A_34] : memref<1000x128xf32, #tpu.memory_space<vmem>>, vector<1000x128xf32>
    tpu.vector_store %arg7[%swap3A, %swap3A_34], %add3A_33 {strides = array<i32>} : memref<1000x128xf32, #tpu.memory_space<vmem>>, vector<1000x128xf32>,
    %reduce_sum3A_36 = arith.constant dense<0.000000e+00> : vector<128xf32>
    %reduce_sum3A_37 = vector.multi_reduction <add>, %add3A_33, %reduce_sum3A_36 [0] : vector<1000x128xf32> to vector<128xf32>
    %broadcast_in_dim3A_38 = vector.shape_cast %reduce_sum3A_37 : vector<128xf32> to vector<1x128xf32>
    %mul3A = arith.mulf %add3A_33, %add3A_33 : vector<1000x128xf32>
    %reduce_sum3A_39 = arith.constant dense<0.000000e+00> : vector<128xf32>
    %reduce_sum3A_40 = vector.multi_reduction <add>, %mul3A, %reduce_sum3A_39 [0] : vector<1000x128xf32> to vector<128xf32>
    %broadcast_in_dim3A_41 = vector.shape_cast %reduce_sum3A_40 : vector<128xf32> to vector<1x128xf32>
    %concatenate3A = tpu.concatenate %broadcast_in_dim3A_38, %broadcast_in_dim3A_41 in 0 : vector<1x128xf32>, vector<1x128xf32> -> vector<2x128xf32>
    %eq3A = arith.constant 0 : i32
    %eq3A_42 = arith.cmpi eq, %arg0, %eq3A : i32
    %convert_element_type3A = arith.extui %eq3A_42 : i1 to i32
    %cond3A = arith.constant 0 : i32
    %cond3A_43 = arith.cmpi ne, %convert_element_type3A, %cond3A : i32
    scf.if %cond3A_43 {
      %swap3A_48 = arith.constant 0 : index
      %swap3A_49 = arith.constant 0 : index
      %swap3A_50 = vector.load %arg8[%swap3A_48, %swap3A_49] : memref<2x128xf32, #tpu.memory_space<vmem>>, vector<2x128xf32>
      tpu.vector_store %arg8[%swap3A_48, %swap3A_49], %concatenate3A {strides = array<i32>} : memref<2x128xf32, #tpu.memory_space<vmem>>, vector<2x128xf32>,
    } else {
    }
    %ne3A = arith.constant 0 : i32
    %ne3A_44 = arith.cmpi ne, %arg0, %ne3A : i32
    %convert_element_type3A_45 = arith.extui %ne3A_44 : i1 to i32
    %cond3A_46 = arith.constant 0 : i32
    %cond3A_47 = arith.cmpi ne, %convert_element_type3A_45, %cond3A_46 : i32
    scf.if %cond3A_47 {
      %get3A_48 = arith.constant 0 : index
      %get3A_49 = arith.constant 0 : index
      %get3A_50 = vector.load %arg8[%get3A_48, %get3A_49] : memref<2x128xf32, #tpu.memory_space<vmem>>, vector<2x128xf32>
      %add3A_51 = arith.addf %get3A_50, %concatenate3A : vector<2x128xf32>
      %swap3A_52 = arith.constant 0 : index
      %swap3A_53 = arith.constant 0 : index
      %swap3A_54 = vector.load %arg8[%swap3A_52, %swap3A_53] : memref<2x128xf32, #tpu.memory_space<vmem>>, vector<2x128xf32>
      tpu.vector_store %arg8[%swap3A_52, %swap3A_53], %add3A_51 {strides = array<i32>} : memref<2x128xf32, #tpu.memory_space<vmem>>, vector<2x128xf32>,
    } else {
    }
    return
  }
  func.func @transform_0(%arg0: i32) -> (i32, i32) {
    %c0_i32 = arith.constant 0 : i32
    %c0_i32_0 = arith.constant 0 : i32
    return %arg0, %c0_i32 : i32, i32
  }
  func.func @transform_1(%arg0: i32) -> (i32, i32, i32) {
    %c0_i32 = arith.constant 0 : i32
    %c0_i32_0 = arith.constant 0 : i32
    %c0_i32_1 = arith.constant 0 : i32
    return %c0_i32, %arg0, %c0_i32_0 : i32, i32, i32
  }
  func.func @transform_2(%arg0: i32) -> (i32, i32) {
    %c0_i32 = arith.constant 0 : i32
    %c0_i32_0 = arith.constant 0 : i32
    return %arg0, %c0_i32 : i32, i32
  }
  func.func @transform_3(%arg0: i32) -> (i32, i32) {
    %c0_i32 = arith.constant 0 : i32
    %c0_i32_0 = arith.constant 0 : i32
    %c0_i32_1 = arith.constant 0 : i32
    return %c0_i32, %c0_i32_0 : i32, i32
  }
  func.func @transform_4(%arg0: i32) -> i32 {
    %c0_i32 = arith.constant 0 : i32
    %c0_i32_0 = arith.constant 0 : i32
    return %c0_i32 : i32
  }
  func.func @transform_5(%arg0: i32) -> (i32, i32) {
    %c0_i32 = arith.constant 0 : i32
    %c0_i32_0 = arith.constant 0 : i32
    %c0_i32_1 = arith.constant 0 : i32
    return %c0_i32, %c0_i32_0 : i32, i32
  }
  func.func @transform_6(%arg0: i32) -> (i32, i32) {
    %c0_i32 = arith.constant 0 : i32
    %c0_i32_0 = arith.constant 0 : i32
    return %arg0, %c0_i32 : i32, i32
  }
  func.func @transform_7(%arg0: i32) -> (i32, i32) {
    %c0_i32 = arith.constant 0 : i32
    %c0_i32_0 = arith.constant 0 : i32
    %c0_i32_1 = arith.constant 0 : i32
    return %c0_i32, %c0_i32_0 : i32, i32
  }
}

module attributes {stable_mosaic.version = 14 : i64} {
  func.func @_tc_norm_body(%arg0: i32, %arg1: memref<1000x128xf32, #tpu.memory_space<vmem>>, %arg2: memref<2x128xf32, #tpu.memory_space<vmem>>, %arg3: memref<128xf32, #tpu.memory_space<vmem>>, %arg4: memref<128xf32, #tpu.memory_space<vmem>>, %arg5: memref<1000x128xf32, #tpu.memory_space<vmem>>) attributes {dimension_semantics = [#tpu.dimension_semantics<arbitrary>], iteration_bounds = array<i64: 10>, scalar_prefetch = 0 : i64, scratch_operands = 0 : i64, tpu.core_type = #tpu.core_type<tc>, window_params = [{transform_indices = @transform_0, window_bounds = array<i64: 1000, 128>}, {pipeline_mode = #tpu.pipeline_mode<synchronous>, transform_indices = @transform_1, window_bounds = array<i64: 2, 128>}, {pipeline_mode = #tpu.pipeline_mode<synchronous>, transform_indices = @transform_2, window_bounds = array<i64: 128>}, {pipeline_mode = #tpu.pipeline_mode<synchronous>, transform_indices = @transform_3, window_bounds = array<i64: 128>}, {transform_indices = @transform_4, window_bounds = array<i64: 1000, 128>}]} {
    %get3A = arith.constant 0 : index
    %get3A_0 = arith.constant 0 : index
    %get3A_1 = vector.load %arg2[%get3A, %get3A_0] : memref<2x128xf32, #tpu.memory_space<vmem>>, vector<1x128xf32>
    %mul3A = arith.constant 9.99999974E-5 : f32
    %mul3A_2 = vector.broadcast %mul3A : f32 to vector<1x128xf32>
    %mul3A_3 = arith.mulf %get3A_1, %mul3A_2 : vector<1x128xf32>
    %get3A_4 = arith.constant 1 : index
    %get3A_5 = arith.constant 0 : index
    %get3A_6 = vector.load %arg2[%get3A_4, %get3A_5] : memref<2x128xf32, #tpu.memory_space<vmem>>, vector<1x128xf32>
    %mul3A_7 = arith.constant 9.99999974E-5 : f32
    %mul3A_8 = vector.broadcast %mul3A_7 : f32 to vector<1x128xf32>
    %mul3A_9 = arith.mulf %get3A_6, %mul3A_8 : vector<1x128xf32>
    %mul3A_10 = arith.mulf %mul3A_3, %mul3A_3 : vector<1x128xf32>
    %sub3A = arith.subf %mul3A_9, %mul3A_10 : vector<1x128xf32>
    %get3A_11 = arith.constant 0 : index
    %get3A_12 = vector.load %arg3[%get3A_11] : memref<128xf32, #tpu.memory_space<vmem>>, vector<128xf32>
    %broadcast_in_dim3A = vector.shape_cast %get3A_12 : vector<128xf32> to vector<1x128xf32>
    %get3A_13 = arith.constant 0 : index
    %get3A_14 = arith.constant 0 : index
    %get3A_15 = vector.load %arg1[%get3A_13, %get3A_14] : memref<1000x128xf32, #tpu.memory_space<vmem>>, vector<1000x128xf32>
    %sub3A_16 = vector.broadcast %mul3A_3 : vector<1x128xf32> to vector<1000x128xf32>
    %sub3A_17 = arith.subf %get3A_15, %sub3A_16 : vector<1000x128xf32>
    %mul3A_18 = vector.broadcast %broadcast_in_dim3A : vector<1x128xf32> to vector<1000x128xf32>
    %mul3A_19 = arith.mulf %mul3A_18, %sub3A_17 : vector<1000x128xf32>
    %add3A = arith.constant 9.99999974E-6 : f32
    %add3A_20 = vector.broadcast %add3A : f32 to vector<1x128xf32>
    %add3A_21 = arith.addf %sub3A, %add3A_20 : vector<1x128xf32>
    %rsqrt3A = math.rsqrt %add3A_21 : vector<1x128xf32>
    %mul3A_22 = vector.broadcast %rsqrt3A : vector<1x128xf32> to vector<1000x128xf32>
    %mul3A_23 = arith.mulf %mul3A_19, %mul3A_22 : vector<1000x128xf32>
    %get3A_24 = arith.constant 0 : index
    %get3A_25 = vector.load %arg4[%get3A_24] : memref<128xf32, #tpu.memory_space<vmem>>, vector<128xf32>
    %broadcast_in_dim3A_26 = vector.shape_cast %get3A_25 : vector<128xf32> to vector<1x128xf32>
    %add3A_27 = vector.broadcast %broadcast_in_dim3A_26 : vector<1x128xf32> to vector<1000x128xf32>
    %add3A_28 = arith.addf %mul3A_23, %add3A_27 : vector<1000x128xf32>
    %max3A = arith.constant 0.000000e+00 : f32
    %max3A_29 = vector.broadcast %max3A : f32 to vector<1000x128xf32>
    %max3A_30 = arith.maximumf %add3A_28, %max3A_29 : vector<1000x128xf32>
    %swap3A = arith.constant 0 : index
    %swap3A_31 = arith.constant 0 : index
    %swap3A_32 = vector.load %arg5[%swap3A, %swap3A_31] : memref<1000x128xf32, #tpu.memory_space<vmem>>, vector<1000x128xf32>
    tpu.vector_store %arg5[%swap3A, %swap3A_31], %max3A_30 {strides = array<i32>} : memref<1000x128xf32, #tpu.memory_space<vmem>>, vector<1000x128xf32>,
    return
  }
  func.func @transform_0(%arg0: i32) -> (i32, i32) {
    %c0_i32 = arith.constant 0 : i32
    %c0_i32_0 = arith.constant 0 : i32
    return %arg0, %c0_i32 : i32, i32
  }
  func.func @transform_1(%arg0: i32) -> (i32, i32) {
    %c0_i32 = arith.constant 0 : i32
    %c0_i32_0 = arith.constant 0 : i32
    %c0_i32_1 = arith.constant 0 : i32
    return %c0_i32, %c0_i32_0 : i32, i32
  }
  func.func @transform_2(%arg0: i32) -> i32 {
    %c0_i32 = arith.constant 0 : i32
    %c0_i32_0 = arith.constant 0 : i32
    return %c0_i32 : i32
  }
  func.func @transform_3(%arg0: i32) -> i32 {
    %c0_i32 = arith.constant 0 : i32
    %c0_i32_0 = arith.constant 0 : i32
    return %c0_i32 : i32
  }
  func.func @transform_4(%arg0: i32) -> (i32, i32) {
    %c0_i32 = arith.constant 0 : i32
    %c0_i32_0 = arith.constant 0 : i32
    return %arg0, %c0_i32 : i32, i32
  }
}

</mosaic_0001>

<sc_bundles>
// kernel: kernel.5.cloned.1.call-start
scs
__scs_entry_jumppad:
0x0: {  	(pc) =	sbr.rel $0x88, $3  }
0x1: {  	(tag) =	ssettag $0x0;
	lr =	simm.s32 $0x1  }
0x2: {  	[smem:$0x3F9A] =	sst lr;
	_ =	strace $0xD0000000  }
0x3: {  	_ = 	snop  }
0x4: {  	_ = 	snop  }
0x5: {  	_ = 	snop  }
0x6: {  	_ = 	snop  }
0x7: {  	_ = 	snop  }
__scs_overlays_trampoline_lowered:
0x8: {  	[smem:$0x3FA9] =	sst s0  }
0x9: {  	[smem:$0x3FAA] =	sst s1  }
0xa: {  	[smem:$0x3FAB] =	sst s2  }
0xb: {  	[smem:$0x3FAC] =	sst s3  }
0xc: {  	[smem:$0x3FAD] =	sst s4  }
0xd: {  	[smem:$0x3FAE] =	sst s5  }
0xe: {  	[smem:$0x3FAF] =	sst s6  }
0xf: {  	[smem:$0x3FB0] =	sst s7  }
0x10: {  	[smem:$0x3FB1] =	sst s8  }
0x11: {  	[smem:$0x3FB2] =	sst s9;
	s0 =	simm.s32 @!p0 $0x0  }
0x12: {  	s1 =	sld [smem:$0x3F98];
	s0 =	simm.s32 @p0 $0x1  }
0x13: {  	[smem:$0x3FB3] =	sst s0;
	s0 =	simm.s32 @!p1 $0x0  }
0x14: {  	s2 =	sld [smem:$0x3F97];
	s0 =	simm.s32 @p1 $0x1  }
0x15: {  	[smem:$0x3FB4] =	sst s0;
	s0 =	simm.s32 @!p2 $0x0  }
0x16: {  	s3 =	sld [smem:$0x3FDB];
	s0 =	simm.s32 @p2 $0x1  }
0x17: {  	s4 =	simm.s32 $0x1BF5;
	[smem:$0x3FB6] =	sst s0  }
0x18: {  	s0 =	sld [smem:$0x3F99];
	_ =	swait.ge [sflag:s4], $0x0  }
0x19: {  	s7 =	sld [smem:$0x3F9A]  }
0x1a: {  	s8 =	sadd.s32 $0xFFFFE003, lr  }
0x1b: {  	s9 =	sadd.s32 $0xFFFFFEF7, lr;
	s5 =	simm.s32 $0xFFFFFFFF;
	p2 =	slt.u32 s8, $0xFFFFF086  }
0x1c: {  	p1 =	slt.u32 s9, $0xF7A;
	s5 =	simm.s32 @!p2 $0x0  }
0x1d: {  	s5 =	simm.s32 @p1 $0x1;
	p0 =	seq.s32 s7, s2  }
0x1e: {  	s7 =	smul.u32 @!p0 $0xF7A, s2;
	p2 =	seq.s32 @!p0 s5, $0x0  }
0x1f: {  	s9 =	smul.u32 $0xF7A, s1;
	s8 =	simm.s32 @!p0 $0x1BF5;
	p2 =	por !p2, p0  }
0x20: {  	[sflag:s8] =	ssyncset.s32 @!p0 $0xFFFFF086;
	s6 =	sadd.s32 @!p0 s3, s7;
	s7 =	simm.s32 @!p0 $0x108  }
0x21: {  	s3 =	sadd.s32 s3, s9;
	s6 =	sadd.s32 @!p0 $0x88, s6;
	s7 =	simm.s32 @p2 $0x1082  }
0x22: {  	[simem:s7], [sflag:s8] =	dma.local @!p0 [hbm:s6], $0xF7A  }
0x23: {  	s9 =	sor.u32 $0xD0000000, s2;
	s6 =	simm.s32 $0x108;
	_ =	swait.ge @!p0 [sflag:s8], $0x0  }
0x24: {  	s3 =	sadd.s32 $0x88, s3;
	s6 =	simm.s32 @!p1 $0x1082;
	[sflag:s4] =	ssyncset.s32 $0xFFFFF086  }
0x25: {  	[simem:s6], [sflag:s4] =	dma.local [hbm:s3], $0xF7A  }
0x26: {  	[smem:$0x3F9A] =	sst s1;
	(tag) =	ssettag s2;
	_ =	strace s9  }
0x27: {  	s1 =	sld [smem:$0x3FAA]  }
0x28: {  	s2 =	sld [smem:$0x3FAB]  }
0x29: {  	s4 =	sld [smem:$0x3FAD]  }
0x2a: {  	p0 =	seq.s32 s5, $0x0;
	s5 =	sld [smem:$0x3FAE]  }
0x2b: {  	s6 =	sld [smem:$0x3FAF]  }
0x2c: {  	s7 =	sld [smem:$0x3FB0]  }
0x2d: {  	s3 =	simm.s32 $0x108;
	s8 =	sld [smem:$0x3FB1]  }
0x2e: {  	s3 =	simm.s32 @!p0 $0x1082;
	s9 =	sld [smem:$0x3FB2]  }
0x2f: {  	lr =	sadd.s32 s0, s3;
	s0 =	sld [smem:$0x3FA9]  }
0x30: {  	s3 =	sld [smem:$0x3FAC]  }
0x31: {  	[smem:$0x3FB5] =	sst s10  }
0x32: {  	s10 =	sld [smem:$0x3FB3];
	_ =	sdelay $0x3  }
0x33: {  	p0 =	seq.s32 s10, $0x1;
	s10 =	sld [smem:$0x3FB5];
	_ =	sdelay $0x3  }
0x34: {  	[smem:$0x3FB5] =	sst s10  }
0x35: {  	s10 =	sld [smem:$0x3FB4];
	_ =	sdelay $0x3  }
0x36: {  	p1 =	seq.s32 s10, $0x1;
	s10 =	sld [smem:$0x3FB5];
	_ =	sdelay $0x3  }
0x37: {  	[smem:$0x3FB5] =	sst s10  }
0x38: {  	s10 =	sld [smem:$0x3FB6]  }
0x39: {  	_ = 	snop;
	(pc) =	sbr.ind lr, $3  }
0x3a: {  	_ = 	snop  }
0x3b: {  	_ = 	snop  }
0x3c: {  	p2 =	seq.s32 s10, $0x1;
	s10 =	sld [smem:$0x3FB5]  }
0x3d: {  	_ =	shalt  }
0x3e: {  	_ =	shalt  }
0x3f: {  	_ =	shalt  }
0x40: {  	_ =	shalt  }
0x41: {  	_ =	shalt  }
0x42: {  	_ =	shalt  }
0x43: {  	_ =	shalt  }
0x44: {  	_ =	shalt  }
0x45: {  	_ =	shalt  }
0x46: {  	_ =	shalt  }
0x47: {  	_ =	shalt  }
0x48: {  	_ =	shalt  }
0x49: {  	_ =	shalt  }
0x4a: {  	_ =	shalt  }
0x4b: {  	_ =	shalt  }
0x4c: {  	_ =	shalt  }
0x4d: {  	_ =	shalt  }
0x4e: {  	_ =	shalt  }
0x4f: {  	_ =	shalt  }
0x50: {  	_ =	shalt  }
0x51: {  	_ =	shalt  }
0x52: {  	_ =	shalt  }
0x53: {  	_ =	shalt  }
0x54: {  	_ =	shalt  }
0x55: {  	_ =	shalt  }
0x56: {  	_ =	shalt  }
0x57: {  	_ =	shalt  }
0x58: {  	_ =	shalt  }
0x59: {  	_ =	shalt  }
0x5a: {  	_ =	shalt  }
0x5b: {  	_ =	shalt  }
0x5c: {  	_ =	shalt  }
0x5d: {  	_ =	shalt  }
0x5e: {  	_ =	shalt  }
0x5f: {  	_ =	shalt  }
0x60: {  	_ =	shalt  }
0x61: {  	_ =	shalt  }
0x62: {  	_ =	shalt  }
0x63: {  	_ =	shalt  }
0x64: {  	_ =	shalt  }
0x65: {  	_ =	shalt  }
0x66: {  	_ =	shalt  }
0x67: {  	_ =	shalt  }
0x68: {  	_ =	shalt  }
0x69: {  	_ =	shalt  }
0x6a: {  	_ =	shalt  }
0x6b: {  	_ =	shalt  }
0x6c: {  	_ =	shalt  }
0x6d: {  	_ =	shalt  }
0x6e: {  	_ =	shalt  }
0x6f: {  	_ =	shalt  }
0x70: {  	_ =	shalt  }
0x71: {  	_ =	shalt  }
0x72: {  	_ =	shalt  }
0x73: {  	_ =	shalt  }
0x74: {  	_ =	shalt  }
0x75: {  	_ =	shalt  }
0x76: {  	_ =	shalt  }
0x77: {  	_ =	shalt  }
0x78: {  	_ =	shalt  }
0x79: {  	_ =	shalt  }
0x7a: {  	_ =	shalt  }
0x7b: {  	_ =	shalt  }
0x7c: {  	_ =	shalt  }
0x7d: {  	_ =	shalt  }
0x7e: {  	_ =	shalt  }
0x7f: {  	_ =	shalt  }
0x80: {  	_ =	shalt  }
0x81: {  	_ =	shalt  }
0x82: {  	_ =	shalt  }
0x83: {  	_ =	shalt  }
0x84: {  	_ =	shalt  }
0x85: {  	_ =	shalt  }
0x86: {  	_ =	shalt  }
0x87: {  	_ =	shalt  }
.Lfunc_end0:
.L_simem_size_0:
called_computation_lowered:
.L_overlay_start_0:
0x88: {  	s2 =	sld [smem:$0x3FD9]  }
0x89: {  	s3 =	sld [smem:$0x3FFE];
	_ =	sdelay $0x1  }
0x8a: {  	s1 =	srdreg.scid  }
0x8b: {  	s0 =	sand.u32 $0x1, s1  }
0x8c: {  	s17 =	sshll.u32 s0, $0xA;
	s2 =	sadd.s32 s3, s2  }
0x8d: {  	s2 =	sadd.s32 s2, s17  }
0x8e: {  	[smem:$0x3FC1] =	sst s2  }
0x8f: {  	_ = 	snop  }
0x90: {  	s2 =	sld [smem:$0x3FC9]  }
0x91: {  	s18 =	sld [smem:$0x3FD0];
	(tm) =	ssettm $0x1  }
0x92: {  	s4 =	sld [smem:$0x3FFB];
	_ =	sdelay $0x3  }
0x93: {  	_ =	strace s4  }
0x94: {  	s4 =	sld [smem:$0x3FFC];
	_ =	sdelay $0x3  }
0x95: {  	_ =	strace s4  }
0x96: {  	s4 =	sld [smem:$0x3FFD];
	_ =	sdelay $0x3  }
0x97: {  	_ =	strace s4  }
0x98: {  	_ =	strace $0x8FFFFFFF  }
0x99: {  	s19 =	sld [smem:$0x3FDB];
	_ =	sdelay $0x1  }
0x9a: {  	s5 =	simm.s32 $_scs_section_size  }
0x9b: {  	s6 =	simm.s32 $_size__tile_overlayer_lowered;
	s7 =	simm.s32 $_tile_overlayer_lowered  }
0x9c: {  	s22 =	simm.s32 $0x1BFF;
	s21 =	sshll.u32 s7, $0x1;
	s4 =	sadd.s32 s5, s19  }
0x9d: {  	s8 =	simm.s32 $0x0;
	s20 =	sshll.u32 s6, $0x1;
	s6 =	sadd.s32 s21, s4  }
0x9e: {  	[timem:s8], [sflag:s22] =	dma.local [hbm:s6], s20  }
0x9f: {  	_ =	swait.ge [sflag:s22], s20  }
0xa0: {  	s5 =	ssub.s32 $0x0, s20;
	[sflag:s22] =	ssyncset.done $0x0  }
0xa1: {  	[sflag:s22] =	ssyncadd.s32 s5;
	_ =	sdelay $0x1  }
0xa2: {  	s23 =	simm.s32 $0x1B8B  }
0xa3: {  	_ =	swait.ge [sflag:s23], $0x1  }
0xa4: {  	[sflag:s23] =	ssyncset.done $0x0  }
0xa5: {  	s25 =	simm.s32 $0x1B8E;
	s24 =	sld [smem:$0x3FFE];
	[sflag:s23] =	ssyncadd.s32 $0xFFFFFFFF  }
0xa6: {  	s26 =	simm.s32 $execute0_lowered;
	[smem:$0x3FD2] =	sst s25  }
0xa7: {  	s6 =	sshll.u32 s26, $0x1;
	_ =	strace $0x80000046;
	[dreg:$0x1] =	wrdreg $0xFFFFFFFF  }
0xa8: {  	s28 =	simm.s32 $_size_execute0_lowered;
	s4 =	sadd.s32 s4, s6;
	[dreg:$0x0] =	wrdreg $0x0  }
0xa9: {  	s6 =	sshll.u32 s28, $0x1;
	[dreg:$0x2] =	wrdreg s4  }
0xaa: {  	[dreg:$0x3] =	wrdreg s6  }
0xab: {  	[dreg:$0x4] =	wrdreg $0xC0  }
0xac: {  	_ =	task [dreg:s8], $0x5FFFF  }
0xad: {  	[dreg:$0x1] =	wrdreg $0xFFFFFFFF  }
0xae: {  	[dreg:$0x0] =	wrdreg $0x60  }
0xaf: {  	[dreg:$0x2] =	wrdreg s2  }
0xb0: {  	[dreg:$0x3] =	wrdreg s18  }
0xb1: {  	[dreg:$0x4] =	wrdreg s24  }
0xb2: {  	[dreg:$0x5] =	wrdreg $0x0  }
0xb3: {  	[dreg:$0x6] =	wrdreg $0x9  }
0xb4: {  	_ =	task.clear_ibuf [dreg:s8], $0x7FFFF;
	_ =	strace $0x90000046  }
0xb5: {  	s29 =	simm.s32 $0x9;
	_ =	strace $0x80000048  }
0xb6: {  	_ =	swait.ge [sflag:s29], $0x1  }
0xb7: {  	[sflag:s29] =	ssyncadd.s32 $0xFFFFFFFF  }
0xb8: {  	_ =	strace $0x90000048  }
0xb9: {  	_ =	sfence  }
0xba: {  	s30 =	sld [smem:$0x0];
	_ =	sdelay $0x2  }
0xbb: {  	s31 =	sshll.u32 s1, $0xD;
	s1 =	sshrl.u32 s1, $0x2  }
0xbc: {  	s3 =	sand.u32 $0x4000, s31;
	s1 =	sadd.s32 s1, s30  }
0xbd: {  	s0 =	sor.u32 s3, s0;
	s1 =	sshll.u32 s1, $0x11  }
0xbe: {  	s0 =	sor.u32 s1, s0  }
0xbf: {  	s0 =	sadd.s32 $0x8F2B, s0  }
0xc0: {  	[sflag:s0] =	ssyncadd.remote.s32 $0x1  }
0xc1: {  	_ =	sfence.sel $0xFFFF  }
0xc2: {  	[dreg:$0x0] =	wrdreg $0xFFFFFFFF;
	(pc) =	sbr.abs _section_cstart, $3  }
0xc3: {  	[dreg:$0x1] =	wrdreg $0xFFFFFFFF  }
0xc4: {  	_ =	task.clear_ibuf [dreg:s8], $0x2FFFF;
	_ =	strace $0x9FFFFFFF  }
0xc5: {  	(tm) =	ssettm $0x7FFFFFFF  }
tec
execute0_lowered:
.L_overlay_start_1:
0x0: {  	(tag) =	ssettag $0x1  }
0x1: {  	s1 =	rddreg [dreg:$0x0]  }
0x2: {  	s2 =	rddreg [dreg:$0x1]  }
0x3: {  	s9 =	rddreg [dreg:$0x2]  }
0x4: {  	s3 =	rddreg [dreg:$0x3];
	s4 =	srdreg.scid  }
0x5: {  	s5 =	simm.s32 $0x0;
	s0 =	stileid.u32;
	s16 =	simm.s32 $0x1CC00  }
0x6: {  	s17 =	simm.s32 $0x13C00;
	s18 =	simm.s32 $0x14400;
	s19 =	simm.s32 $0x80  }
0x7: {  	s20 =	simm.s32 $0x14C00;
	s21 =	simm.s32 $0x18C00;
	s22 =	simm.s32 $0x1  }
0x8: {  	s28 =	simm.s32 $0x400;
	s29 =	simm.s32 $0x0;
	s12 =	smul.u32 $0x13C00, s0  }
0x9: {  	s10 =	sand.u32 $0x1, s4;
	[smem:$0x7FF] =	sst s5;
	s15 =	smul.u32 $0x4F000, s0  }
0xa: {  	s8 =	sshrl.u32 s0, $0x3;
	s6 =	sadd.s32 $0x1400, s9;
	s11 =	smul.u32 $0x13C000, s10  }
0xb: {  	s7 =	sadd.s32 $0xBA00, s9;
	s23 =	sshll.u32 s0, $0x7;
	s13 =	smul.u32 $0x27800, s10  }
0xc: {  	s31 =	sshll.u32 s0, $0x6;
	_ =	strace $0x80000047;
	s14 =	smul.u32 $0x13C00, s8  }
0xd: {  	s8 =	sadd.s32 $0xB400, s9;
	s24 =	ssub.s32 $0x2, s10;
	s26 =	sshll.u32 s10, $0x4  }
0xe: {  	s25 =	sshrl.u32 s24, $0x1;
	s10 =	sor.u32 s0, s26;
	s30 =	sshrl.u32 s15, $0x2  }
0xf: {  	s26 =	simm.s32 $0x14B80;
	s11 =	sadd.s32 s12, s11;
	s13 =	sadd.s32 s13, s14  }
0x10: {  	s12 =	sand.u32 $0x380, s23;
	s15 =	sadd.s32 s30, s3;
	s10 =	smul.u32 $0x500, s10  }
0x11: {  	s23 =	simm.s32 $0x2;
	s11 =	sshrl.u32 s11, $0x3;
	s12 =	sor.u32 s12, s13  }
0x12: {  	s13 =	ssub.s32 s24, s25;
	s14 =	sshrl.u32 s15, $0x3;
	s15 =	simm.s32 $0x3  }
0x13: {  	s24 =	simm.s32 $0x14380;
	s25 =	simm.s32 $0x14B00;
	s12 =	sshrl.u32 s12, $0x3  }
0x14: {  	s11 =	sadd.s32 s11, s9;
	s13 =	smax.u32 s13, $0x1;
	s12 =	sadd.s32 s12, s9  }
0x15: {  	v0 =	vimm.f32 $1.000000000e+00;
	s9 =	sor.u32 $0x1C03, s31;
	s11 =	sadd.s32 $0x18000, s11;
	s12 =	sadd.s32 $0xE200, s12  }
.LBB2_1:
0x16: {  	[spmem:s14], [sflag:s9] =	dma.local [hbm:s7], $0x2780  }
0x17: {  	_ =	swait.ge [sflag:s15], $0x2780  }
0x18: {  	[sflag:s15] =	ssyncset.done $0x0  }
0x19: {  	[sflag:s15] =	ssyncadd.s32 $0xFFFFD880  }
0x1a: {  	[tilespmem:s16], [sflag:$0x3] =	stream.linear.gather [hbm4b:s8+s5], $0x2780, $0x38;
	[tilespmem:$0x1F380] =	vst v63  }
0x1b: {  	_ =	swait.ge [sflag:s15], $0x2780  }
0x1c: {  	[sflag:s15] =	ssyncset.done $0x0  }
0x1d: {  	[sflag:s15] =	ssyncadd.s32 $0xFFFFD880  }
0x1e: {  	s30 =	simm.s32 $0x0;
	[bflag:$0x0] =	sbarrier.arrive $0xFFFF  }
.LBB2_2:
0x1f: {  	s31 =	sshll.u32 s30, $0x8  }
0x20: {  	s0 =	sadd.s32 s10, s31  }
0x21: {  	s31 =	simm.s32 $0x0;
	s4 =	sadd.s32 s2, s0  }
0x22: {  	[tilespmem:s17], [sflag:$0x3] =	stream.linear.gather [hbm4b:s4+s31], $0x800, $0x38;
	[tilespmem:$0x1F380] =	vst v63  }
0x23: {  	_ =	swait.ge [sflag:s15], $0x800  }
0x24: {  	[sflag:s15] =	ssyncset.done $0x0  }
0x25: {  	s0 =	sadd.s32 s6, s0;
	[sflag:s15] =	ssyncadd.s32 $0xFFFFF800  }
0x26: {  	[tilespmem:s18], [sflag:$0x3] =	stream.linear.gather [hbm4b:s0+s31], $0x800, $0x38;
	[tilespmem:$0x1F380] =	vst v63  }
0x27: {  	_ =	swait.ge [sflag:s15], $0x800  }
0x28: {  	[sflag:s15] =	ssyncset.done $0x0  }
0x29: {  	[sflag:s15] =	ssyncadd.s32 $0xFFFFF800  }
0x2a: {  	[tilespmem:s20], [sflag:$0x1] =	stream.indirect.gather [hbm4b:s1+s19], $0x80, s17, s19, $0xb8;
	[tilespmem:$0x1F380] =	vst v63  }
.LBB2_3:
0x2b: {  	s0 =	sshra.s32 s31, $0x2  }
0x2c: {  	s4 =	sadd.s32 $0x13C80, s0  }
0x2d: {  	[tilespmem:s21], [sflag:$0x2] =	stream.indirect.gather [hbm4b:s1+s19], $0x80, s4, s19, $0xb8;
	[tilespmem:$0x1F380] =	vst v63  }
0x2e: {  	v1 =	vld [tilespmem:s0+$0x14400];
	_ =	sdelay $0x7  }
0x2f: {  	[tilespmem:v1+s16+$0x0] =	vst.idx.add.f32.msk $0xffff, v0  }
0x30: {  	v1 =	vld [tilespmem:s0+$0x14410];
	_ =	sdelay $0x7  }
0x31: {  	[tilespmem:v1+s16+$0x0] =	vst.idx.add.f32.msk $0xffff, v0  }
0x32: {  	v1 =	vld [tilespmem:s0+$0x14420];
	_ =	sdelay $0x7  }
0x33: {  	[tilespmem:v1+s16+$0x0] =	vst.idx.add.f32.msk $0xffff, v0  }
0x34: {  	v1 =	vld [tilespmem:s0+$0x14430];
	_ =	sdelay $0x7  }
0x35: {  	[tilespmem:v1+s16+$0x0] =	vst.idx.add.f32.msk $0xffff, v0  }
0x36: {  	v1 =	vld [tilespmem:s0+$0x14440];
	_ =	sdelay $0x7  }
0x37: {  	[tilespmem:v1+s16+$0x0] =	vst.idx.add.f32.msk $0xffff, v0  }
0x38: {  	v1 =	vld [tilespmem:s0+$0x14450];
	_ =	sdelay $0x7  }
0x39: {  	[tilespmem:v1+s16+$0x0] =	vst.idx.add.f32.msk $0xffff, v0  }
0x3a: {  	v1 =	vld [tilespmem:s0+$0x14460];
	_ =	sdelay $0x7  }
0x3b: {  	[tilespmem:v1+s16+$0x0] =	vst.idx.add.f32.msk $0xffff, v0  }
0x3c: {  	v1 =	vld [tilespmem:s0+$0x14470];
	_ =	sdelay $0x7  }
0x3d: {  	[tilespmem:v1+s16+$0x0] =	vst.idx.add.f32.msk $0xffff, v0  }
0x3e: {  	_ =	swait.ge [sflag:s22], $0x4000  }
0x3f: {  	[sflag:s22] =	ssyncset.done $0x0  }
0x40: {  	s4 =	sadd.s32 $0x14400, s0;
	[sflag:s22] =	ssyncadd.s32 $0xFFFFC000  }
0x41: {  	[spmem:s3] =	stream.indirect.scatter.add.f32 [tilespmem:s20], [sflag:$0x3], $0x80, s4, s19, $0xb8;
	[tilespmem:$0x1F380] =	vst v63  }
0x42: {  	_ =	swait.ge [sflag:s15], $0x4000  }
0x43: {  	[sflag:s15] =	ssyncset.done $0x0  }
0x44: {  	s4 =	sadd.s32 $0x13D00, s0;
	[sflag:s15] =	ssyncadd.s32 $0xFFFFC000  }
0x45: {  	[tilespmem:s20], [sflag:$0x1] =	stream.indirect.gather [hbm4b:s1+s19], $0x80, s4, s19, $0xb8;
	[tilespmem:$0x1F380] =	vst v63  }
0x46: {  	v1 =	vld [tilespmem:s0+$0x14480];
	_ =	sdelay $0x7  }
0x47: {  	[tilespmem:v1+s16+$0x0] =	vst.idx.add.f32.msk $0xffff, v0  }
0x48: {  	v1 =	vld [tilespmem:s0+$0x14490];
	_ =	sdelay $0x7  }
0x49: {  	[tilespmem:v1+s16+$0x0] =	vst.idx.add.f32.msk $0xffff, v0  }
0x4a: {  	v1 =	vld [tilespmem:s0+$0x144A0];
	_ =	sdelay $0x7  }
0x4b: {  	[tilespmem:v1+s16+$0x0] =	vst.idx.add.f32.msk $0xffff, v0  }
0x4c: {  	v1 =	vld [tilespmem:s0+$0x144B0];
	_ =	sdelay $0x7  }
0x4d: {  	[tilespmem:v1+s16+$0x0] =	vst.idx.add.f32.msk $0xffff, v0  }
0x4e: {  	v1 =	vld [tilespmem:s0+$0x144C0];
	_ =	sdelay $0x7  }
0x4f: {  	[tilespmem:v1+s16+$0x0] =	vst.idx.add.f32.msk $0xffff, v0  }
0x50: {  	v1 =	vld [tilespmem:s0+$0x144D0];
	_ =	sdelay $0x7  }
0x51: {  	[tilespmem:v1+s16+$0x0] =	vst.idx.add.f32.msk $0xffff, v0  }
0x52: {  	v1 =	vld [tilespmem:s0+$0x144E0];
	_ =	sdelay $0x7  }
0x53: {  	[tilespmem:v1+s16+$0x0] =	vst.idx.add.f32.msk $0xffff, v0  }
0x54: {  	v1 =	vld [tilespmem:s0+$0x144F0];
	_ =	sdelay $0x7  }
0x55: {  	[tilespmem:v1+s16+$0x0] =	vst.idx.add.f32.msk $0xffff, v0  }
0x56: {  	_ =	swait.ge [sflag:s23], $0x4000  }
0x57: {  	p0 =	sne.s32 s31, $0x1800;
	[sflag:s23] =	ssyncset.done $0x0  }
.Ltmp0:
0x58: {  	s0 =	sadd.s32 $0x14480, s0;
	[sflag:s23] =	ssyncadd.s32 $0xFFFFC000;
	(pc) =	sbr.rel @p0 .LBB2_3-.Ltmp0, $4  }
0x59: {  	[spmem:s3] =	stream.indirect.scatter.add.f32 [tilespmem:s21], [sflag:$0x3], $0x80, s0, s19, $0xb8;
	[tilespmem:$0x1F380] =	vst v63  }
0x5a: {  	_ =	swait.ge [sflag:s15], $0x4000  }
0x5b: {  	[sflag:s15] =	ssyncset.done $0x0  }
0x5c: {  	s31 =	sadd.s32 $0x400, s31;
	[sflag:s15] =	ssyncadd.s32 $0xFFFFC000  }
0x5d: {  	[tilespmem:s21], [sflag:$0x2] =	stream.indirect.gather [hbm4b:s1+s19], $0x80, s24, s19, $0xb8;
	[tilespmem:$0x1F380] =	vst v63  }
0x5e: {  	v1 =	vld [tilespmem:$0x14B00];
	_ =	sdelay $0x7  }
0x5f: {  	[tilespmem:v1+s16+$0x0] =	vst.idx.add.f32.msk $0xffff, v0  }
0x60: {  	v1 =	vld [tilespmem:$0x14B10];
	_ =	sdelay $0x7  }
0x61: {  	[tilespmem:v1+s16+$0x0] =	vst.idx.add.f32.msk $0xffff, v0  }
0x62: {  	v1 =	vld [tilespmem:$0x14B20];
	_ =	sdelay $0x7  }
0x63: {  	[tilespmem:v1+s16+$0x0] =	vst.idx.add.f32.msk $0xffff, v0  }
0x64: {  	v1 =	vld [tilespmem:$0x14B30];
	_ =	sdelay $0x7  }
0x65: {  	[tilespmem:v1+s16+$0x0] =	vst.idx.add.f32.msk $0xffff, v0  }
0x66: {  	v1 =	vld [tilespmem:$0x14B40];
	_ =	sdelay $0x7  }
0x67: {  	[tilespmem:v1+s16+$0x0] =	vst.idx.add.f32.msk $0xffff, v0  }
0x68: {  	v1 =	vld [tilespmem:$0x14B50];
	_ =	sdelay $0x7  }
0x69: {  	[tilespmem:v1+s16+$0x0] =	vst.idx.add.f32.msk $0xffff, v0  }
0x6a: {  	v1 =	vld [tilespmem:$0x14B60];
	_ =	sdelay $0x7  }
0x6b: {  	[tilespmem:v1+s16+$0x0] =	vst.idx.add.f32.msk $0xffff, v0  }
0x6c: {  	v1 =	vld [tilespmem:$0x14B70];
	_ =	sdelay $0x7  }
0x6d: {  	[tilespmem:v1+s16+$0x0] =	vst.idx.add.f32.msk $0xffff, v0  }
0x6e: {  	_ =	swait.ge [sflag:s22], $0x4000  }
0x6f: {  	[sflag:s22] =	ssyncset.done $0x0  }
0x70: {  	[sflag:s22] =	ssyncadd.s32 $0xFFFFC000  }
0x71: {  	[spmem:s3] =	stream.indirect.scatter.add.f32 [tilespmem:s20], [sflag:$0x3], $0x80, s25, s19, $0xb8;
	[tilespmem:$0x1F380] =	vst v63  }
0x72: {  	_ =	swait.ge [sflag:s15], $0x4000  }
0x73: {  	[sflag:s15] =	ssyncset.done $0x0  }
0x74: {  	[sflag:s15] =	ssyncadd.s32 $0xFFFFC000  }
0x75: {  	v1 =	vld [tilespmem:$0x14B80];
	_ =	sdelay $0x7  }
0x76: {  	[tilespmem:v1+s16+$0x0] =	vst.idx.add.f32.msk $0xffff, v0  }
0x77: {  	v1 =	vld [tilespmem:$0x14B90];
	_ =	sdelay $0x7  }
0x78: {  	[tilespmem:v1+s16+$0x0] =	vst.idx.add.f32.msk $0xffff, v0  }
0x79: {  	v1 =	vld [tilespmem:$0x14BA0];
	_ =	sdelay $0x7  }
0x7a: {  	[tilespmem:v1+s16+$0x0] =	vst.idx.add.f32.msk $0xffff, v0  }
0x7b: {  	v1 =	vld [tilespmem:$0x14BB0];
	_ =	sdelay $0x7  }
0x7c: {  	[tilespmem:v1+s16+$0x0] =	vst.idx.add.f32.msk $0xffff, v0  }
0x7d: {  	v1 =	vld [tilespmem:$0x14BC0];
	_ =	sdelay $0x7  }
0x7e: {  	[tilespmem:v1+s16+$0x0] =	vst.idx.add.f32.msk $0xffff, v0  }
0x7f: {  	v1 =	vld [tilespmem:$0x14BD0];
	_ =	sdelay $0x7  }
0x80: {  	[tilespmem:v1+s16+$0x0] =	vst.idx.add.f32.msk $0xffff, v0  }
0x81: {  	v1 =	vld [tilespmem:$0x14BE0];
	_ =	sdelay $0x7  }
0x82: {  	[tilespmem:v1+s16+$0x0] =	vst.idx.add.f32.msk $0xffff, v0  }
0x83: {  	v1 =	vld [tilespmem:$0x14BF0];
	_ =	sdelay $0x7  }
0x84: {  	[tilespmem:v1+s16+$0x0] =	vst.idx.add.f32.msk $0xffff, v0  }
0x85: {  	s30 =	sadd.s32 $0x1, s30;
	_ =	swait.ge [sflag:s23], $0x4000  }
0x86: {  	p0 =	sne.s32 s30, $0x5;
	[sflag:s23] =	ssyncset.done $0x0  }
.Ltmp1:
0x87: {  	[sflag:s23] =	ssyncadd.s32 $0xFFFFC000;
	(pc) =	sbr.rel @p0 .LBB2_2-.Ltmp1, $4  }
0x88: {  	[spmem:s3] =	stream.indirect.scatter.add.f32 [tilespmem:s21], [sflag:$0x3], $0x80, s26, s19, $0xb8;
	[tilespmem:$0x1F380] =	vst v63  }
0x89: {  	_ =	swait.ge [sflag:s15], $0x4000  }
0x8a: {  	[sflag:s15] =	ssyncset.done $0x0  }
0x8b: {  	[sflag:s15] =	ssyncadd.s32 $0xFFFFC000  }
0x8c: {  	[bflag:$0x0] =	sbarrier.arrive $0xFFFF  }
0x8d: {  	[hbm:s11], [sflag:s9] =	dma.local [spmem:s14], $0x2780  }
0x8e: {  	s29 =	sadd.s32 $0x1, s29;
	_ =	swait.ge [sflag:s15], $0x2780  }
0x8f: {  	p0 =	sne.s32 s29, s13;
	[sflag:s15] =	ssyncset.done $0x0  }
.Ltmp2:
0x90: {  	[sflag:s15] =	ssyncadd.s32 $0xFFFFD880;
	(pc) =	sbr.rel @p0 .LBB2_1-.Ltmp2, $4  }
0x91: {  	[hbm4b:s12+s19] =	stream.strided.scatter [tilespmem:s16], [sflag:$0x3], $0x2780, s28, s19, $0x38;
	[tilespmem:$0x1F380] =	vst v63  }
0x92: {  	_ =	swait.ge [sflag:s15], $0x2780  }
0x93: {  	[sflag:s15] =	ssyncset.done $0x0  }
0x94: {  	[sflag:s15] =	ssyncadd.s32 $0xFFFFD880  }
0x95: {  	_ =	sfence.sel $0x180000  }
0x96: {  	[bflag:$0x0] =	sbarrier.arrive $0xFFFF  }
0x97: {  	_ =	strace $0x90000047  }
0x98: {  	s0 =	stileid.u32;
	[bflag:$0x2] =	sbarrier.arrive $0xFFFF  }
0x99: {  	p0 =	sne.s32 s0, $0x0;
	s0 =	rddreg [dreg:$0x4]  }
0x9a: {  	s0 =	sadd.s32 @!p0 $0x100000, s0  }
0x9b: {  	[sflag:s0] =	ssyncadd.tile.s32 @!p0 $0x1;
	_ =	shalt  }
.Lfunc_end2:
_tile_overlayer_lowered:
.L_overlay_start_2:
0x9c: {  	(tag) =	ssettag $0x2  }
0x9d: {  	s0 =	rddreg [dreg:$0x0];
	s2 =	stileid.u32  }
0x9e: {  	s1 =	rddreg [dreg:$0x1];
	p0 =	sne.s32 s2, $0x0  }
0x9f: {  	s3 =	rddreg [dreg:$0x2];
	[bflag:$0x3] =	sbarrier.arrive $0xFFFF;
	s2 =	simm.s32 @!p0 $0x1C03  }
0xa0: {  	[timem:s3], [sflag:s2] =	dma.local @!p0 [hbm:s0], s1  }
0xa1: {  	s0 =	simm.s32 @!p0 $0x3  }
0xa2: {  	_ =	swait.ge @!p0 [sflag:s0], s1  }
0xa3: {  	s1 =	ssub.s32 @!p0 $0x0, s1;
	[sflag:s0] =	ssyncset.done @!p0 $0x0  }
0xa4: {  	[sflag:s0] =	ssyncadd.s32 @!p0 s1  }
0xa5: {  	[bflag:$0x3] =	sbarrier.arrive $0xFFFF  }
0xa6: {  	_ =	shalt  }

</sc_bundles>
